<compile_context>
chip_gen: v7x
topology: tpu7x:2x2x1
jax: 0.10.2.dev20260603
libtpu: 0.0.44.dev20260713+nightly
codegen_flags: <defaults>
</compile_context>

<pallas_src>
import functools

import jax
import jax.numpy as jnp
from jax import lax
from jax.experimental import pallas as pl
from jax.experimental.pallas import tpu as pltpu
from jax.experimental.pallas import tpu_sc as plsc

N = 10000
E = 320000
D = 128
DH = D // 2

NC = 2
NS = 16
L = 16

CHUNK = 128
NCHUNK = E // CHUNK
BASE_K = NCHUNK // NS
EXTRA = NCHUNK - BASE_K * NS

DRAIN_TILES = 10
DRAIN_ROWS = N // DRAIN_TILES
ZB = 125



def _pre_body(x_ref, w1_ref, b1_ref, a0_ref, a1_ref, b0_ref, b1h_ref):
    x = x_ref[...]
    w1 = w1_ref[...]
    a = jnp.dot(x, w1[:D, :], preferred_element_type=jnp.float32) + b1_ref[...]
    b = jnp.dot(x, w1[D:, :], preferred_element_type=jnp.float32)
    a0_ref[...] = a[:, :DH]
    a1_ref[...] = a[:, DH:]
    b0_ref[...] = b[:, :DH]
    b1h_ref[...] = b[:, DH:]


def _pre(x, w1, b1_row):
    blk = 1000
    grid = N // blk
    half = jax.ShapeDtypeStruct((N, DH), jnp.float32)
    return pl.pallas_call(
        _pre_body,
        grid=(grid,),
        in_specs=[
            pl.BlockSpec((blk, D), lambda i: (i, 0)),
            pl.BlockSpec((2 * D, D), lambda i: (0, 0)),
            pl.BlockSpec((1, D), lambda i: (0, 0)),
        ],
        out_specs=[pl.BlockSpec((blk, DH), lambda i: (i, 0))] * 4,
        out_shape=[half, half, half, half],
    )(x, w1, b1_row)



_MESH = plsc.VectorSubcoreMesh(core_axis_name="c", subcore_axis_name="s")


@functools.partial(
    pl.kernel,
    out_type=(
        jax.ShapeDtypeStruct((NC, N, DH), jnp.float32),
        jax.ShapeDtypeStruct((N, L), jnp.float32),
    ),
    mesh=_MESH,
    compiler_params=pltpu.CompilerParams(use_tc_tiling_on_sc=False),
    scratch_types=[
        pltpu.VMEM((CHUNK,), jnp.int32),
        pltpu.VMEM((CHUNK,), jnp.int32),
        pltpu.VMEM((CHUNK, DH), jnp.float32),
        pltpu.VMEM((CHUNK, DH), jnp.float32),
        pltpu.VMEM((CHUNK, L), jnp.float32),
        pltpu.VMEM((ZB, DH), jnp.float32),
        pltpu.VMEM((ZB, L), jnp.float32),
        pltpu.VMEM_SHARED((N, DH), jnp.float32),
        pltpu.VMEM_SHARED((N, L), jnp.float32),
        pltpu.SemaphoreType.DMA,
        pltpu.SemaphoreType.DMA,
    ],
)
def _edge_kernel(
    src_hbm, dst_hbm, a_hbm, b_hbm,
    h_out, cnt_out,
    src_v, dst_v, a_v, b_v, ones_v, z_v, z16_v,
    h_sh, cnt_sh, sem_a, sem_b,
):
    cid = lax.axis_index("c")
    sid = lax.axis_index("s")

    zero16 = jnp.zeros((L,), jnp.float32)
    one16 = jnp.ones((L,), jnp.float32)

    def fill_body(i, _):
        for l in range(DH // L):
            z_v[i, pl.ds(l * L, L)] = zero16
        z16_v[i, pl.ds(0, L)] = zero16
        return 0

    lax.fori_loop(0, ZB, fill_body, 0)

    def ones_body(i, _):
        ones_v[i, pl.ds(0, L)] = one16
        return 0

    lax.fori_loop(0, CHUNK, ones_body, 0)

    row0 = sid * DRAIN_ROWS

    @pl.when(sid < DRAIN_TILES)
    def _zero():
        for q in range(DRAIN_ROWS // ZB):
            pltpu.sync_copy(z_v, h_sh.at[pl.ds(row0 + q * ZB, ZB)])
            pltpu.sync_copy(z16_v, cnt_sh.at[pl.ds(row0 + q * ZB, ZB)])

    plsc.subcore_barrier()

    nk = jnp.where(sid < EXTRA, BASE_K + 1, BASE_K)
    is_core0 = cid == 0

    def chunk_body(k, _):
        base = (sid + k * NS) * CHUNK
        pltpu.sync_copy(src_hbm.at[pl.ds(base, CHUNK)], src_v)
        pltpu.sync_copy(dst_hbm.at[pl.ds(base, CHUNK)], dst_v)
        cp_a = pltpu.async_copy(a_hbm.at[cid].at[dst_v], a_v, sem_a)
        cp_b = pltpu.async_copy(b_hbm.at[cid].at[src_v], b_v, sem_b)
        cp_a.wait()
        cp_b.wait()

        def row_body(i, _):
            for l in range(DH // L):
                av = a_v[i, pl.ds(l * L, L)]
                bv = b_v[i, pl.ds(l * L, L)]
                a_v[i, pl.ds(l * L, L)] = jnp.maximum(av + bv, 0.0)
            return 0

        lax.fori_loop(0, CHUNK, row_body, 0)

        pltpu.sync_copy(a_v, h_sh.at[dst_v], add=True)

        @pl.when(is_core0)
        def _count():
            pltpu.sync_copy(ones_v, cnt_sh.at[dst_v], add=True)

        return 0

    lax.fori_loop(0, nk, chunk_body, 0)

    plsc.subcore_barrier()

    @pl.when(sid < DRAIN_TILES)
    def _drain():
        pltpu.sync_copy(
            h_sh.at[pl.ds(row0, DRAIN_ROWS)],
            h_out.at[cid, pl.ds(row0, DRAIN_ROWS)],
        )

        @pl.when(is_core0)
        def _drain_cnt():
            pltpu.sync_copy(
                cnt_sh.at[pl.ds(row0, DRAIN_ROWS)],
                cnt_out.at[pl.ds(row0, DRAIN_ROWS)],
            )



def _post_body(x_ref, hp_ref, cnt_ref, w2_ref, b2_ref, w3_ref, b3_ref,
               w4_ref, b4_ref, out_ref):
    w2 = w2_ref[...]
    cnt = cnt_ref[:, 0:1]
    aggr = (
        jnp.dot(hp_ref[0], w2[:DH, :], preferred_element_type=jnp.float32)
        + jnp.dot(hp_ref[1], w2[DH:, :], preferred_element_type=jnp.float32)
        + cnt * b2_ref[...]
    )
    w3 = w3_ref[...]
    u = jnp.maximum(
        jnp.dot(x_ref[...], w3[:D, :], preferred_element_type=jnp.float32)
        + jnp.dot(aggr, w3[D:, :], preferred_element_type=jnp.float32)
        + b3_ref[...],
        0.0,
    )
    out_ref[...] = (
        jnp.dot(u, w4_ref[...], preferred_element_type=jnp.float32)
        + b4_ref[...]
    )


def _post(x, hp, cnt, w2, b2_row, w3, b3_row, w4, b4_row):
    blk = 1000
    grid = N // blk
    return pl.pallas_call(
        _post_body,
        grid=(grid,),
        in_specs=[
            pl.BlockSpec((blk, D), lambda i: (i, 0)),
            pl.BlockSpec((NC, blk, DH), lambda i: (0, i, 0)),
            pl.BlockSpec((blk, L), lambda i: (i, 0)),
            pl.BlockSpec((D, D), lambda i: (0, 0)),
            pl.BlockSpec((1, D), lambda i: (0, 0)),
            pl.BlockSpec((2 * D, D), lambda i: (0, 0)),
            pl.BlockSpec((1, D), lambda i: (0, 0)),
            pl.BlockSpec((D, D), lambda i: (0, 0)),
            pl.BlockSpec((1, D), lambda i: (0, 0)),
        ],
        out_specs=pl.BlockSpec((blk, D), lambda i: (i, 0)),
        out_shape=jax.ShapeDtypeStruct((N, D), jnp.float32),
    )(x, hp, cnt, w2, b2_row, w3, b3_row, w4, b4_row)


def kernel(x, edge_index, W1, b1, W2, b2, W3, b3, W4, b4):
    src = edge_index[0]
    dst = edge_index[1]
    a0, a1, b0, b1h = _pre(x, W1, b1.reshape(1, D))
    a_halves = jnp.stack([a0, a1])
    b_halves = jnp.stack([b0, b1h])
    hp, cnt = _edge_kernel(src, dst, a_halves, b_halves)
    return _post(
        x, hp, cnt, W2, b2.reshape(1, D), W3, b3.reshape(1, D),
        W4, b4.reshape(1, D),
    )

# --- scband reference (transcript-rebuilt; emitter-appended) ---
"""Pipeline reference for scband-graph-spatial-integration-39522289057932 (READ-ONLY COPY).

The authoritative reference and input builder live on the scoring server;
editing this copy changes nothing except your own understanding.
"""

import jax, jax.numpy as jnp
import numpy as np

N = 10000
E = 320000
D = 128


def setup_inputs(seed: int = 0) -> dict:
    key = jax.random.key(seed)
    ks = jax.random.split(key, 10)
    x = jax.random.normal(ks[0], (N, D), dtype=jnp.float32)
    edge_index = jax.random.randint(ks[1], (2, E), 0, N, dtype=jnp.int32)
    # message_mlp: Linear(2D -> D), ReLU, Linear(D -> D)
    W1 = jax.random.normal(ks[2], (2 * D, D), dtype=jnp.float32) / jnp.sqrt(2.0 * D)
    b1 = jnp.zeros((D,), dtype=jnp.float32)
    W2 = jax.random.normal(ks[3], (D, D), dtype=jnp.float32) / jnp.sqrt(1.0 * D)
    b2 = jnp.zeros((D,), dtype=jnp.float32)
    # update_mlp: Linear(D + D -> D), ReLU, Linear(D -> D)
    W3 = jax.random.normal(ks[4], (2 * D, D), dtype=jnp.float32) / jnp.sqrt(2.0 * D)
    b3 = jnp.zeros((D,), dtype=jnp.float32)
    W4 = jax.random.normal(ks[5], (D, D), dtype=jnp.float32) / jnp.sqrt(1.0 * D)
    b4 = jnp.zeros((D,), dtype=jnp.float32)
    return {"x": x, "edge_index": edge_index, "W1": W1, "b1": b1, "W2": W2, "b2": b2, "W3": W3, "b3": b3, "W4": W4, "b4": b4}


def reference(x, edge_index, W1, b1, W2, b2, W3, b3, W4, b4):
    # AdaptiveMessagePassing.forward with phase_scheduler=None (phase attention skipped).
    # PyG convention: edge_index[0] = source (j), edge_index[1] = target (i), aggr='add'.
    src = edge_index[0]
    dst = edge_index[1]
    x_j = jnp.take(x, src, axis=0)  # gather source features
    x_i = jnp.take(x, dst, axis=0)  # gather target features
    # message: MLP(cat[x_i, x_j])
    msg_in = jnp.concatenate([x_i, x_j], axis=-1)
    h = jax.nn.relu(msg_in @ W1 + b1)
    msg = h @ W2 + b2
    # aggregate: scatter-add by destination node
    aggr = jax.ops.segment_sum(msg, dst, num_segments=x.shape[0])
    # update: MLP(cat[x, aggr])
    upd_in = jnp.concatenate([x, aggr], axis=-1)
    u = jax.nn.relu(upd_in @ W3 + b3)
    out = u @ W4 + b4
    return out

if __name__ == "__main__":
    import jax
    _d = setup_inputs()
    print(jax.jit(kernel)(*tuple(_d.values())))

</pallas_src>

<mosaic_0001>
#map = affine_map<(d0, d1) -> (0)>
#map1 = affine_map<(d0, d1) -> (0, 0, 0)>
#map2 = affine_map<(d0, d1) -> (0, 0)>
module attributes {stable_mosaic.version = 14 : i64} {
  func.func @_edge_kernel(%arg0: i32, %arg1: i32, %arg2: memref<320000xi32, #tpu.memory_space<hbm>>, %arg3: memref<320000xi32, #tpu.memory_space<hbm>>, %arg4: memref<2x10000x64xf32, #tpu.memory_space<hbm>>, %arg5: memref<2x10000x64xf32, #tpu.memory_space<hbm>>, %arg6: memref<2x10000x64xf32, #tpu.memory_space<hbm>>, %arg7: memref<10000x16xf32, #tpu.memory_space<hbm>>, %arg8: memref<128xi32, #tpu.memory_space<vmem>>, %arg9: memref<128xi32, #tpu.memory_space<vmem>>, %arg10: memref<128x64xf32, #tpu.memory_space<vmem>>, %arg11: memref<128x64xf32, #tpu.memory_space<vmem>>, %arg12: memref<128x16xf32, #tpu.memory_space<vmem>>, %arg13: memref<125x64xf32, #tpu.memory_space<vmem>>, %arg14: memref<125x16xf32, #tpu.memory_space<vmem>>, %arg15: memref<10000x64xf32, #tpu.memory_space<vmem_shared>>, %arg16: memref<10000x16xf32, #tpu.memory_space<vmem_shared>>, %arg17: memref<!tpu.dma_semaphore, #tpu.memory_space<semaphore_mem>>, %arg18: memref<!tpu.dma_semaphore, #tpu.memory_space<semaphore_mem>>) attributes {dimension_semantics = [#tpu.dimension_semantics<core_parallel>, #tpu.dimension_semantics<subcore_parallel>], iteration_bounds = array<i64: 2, 16>, scalar_prefetch = 0 : i64, scratch_operands = 11 : i64, tpu.core_type = #tpu.core_type<sc_vector_subcore>, window_params = [{transform_indices = #map}, {transform_indices = #map}, {transform_indices = #map1}, {transform_indices = #map1}, {transform_indices = #map1}, {transform_indices = #map2}]} {
    %broadcast_in_dim3A = arith.constant 0.000000e+00 : f32
    %broadcast_in_dim3A_0 = vector.broadcast %broadcast_in_dim3A : f32 to vector<16xf32>
    %broadcast_in_dim3A_1 = arith.constant 1.000000e+00 : f32
    %broadcast_in_dim3A_2 = vector.broadcast %broadcast_in_dim3A_1 : f32 to vector<16xf32>
    %scan3A = arith.constant 0 : i32
    %scan3A_3 = arith.constant 0 : i32
    %scan3A_4 = arith.constant 125 : i32
    %scan3A_5 = arith.addi %scan3A_3, %scan3A_4 : i32
    %scan3A_6 = arith.constant 1 : i32
    %scan3A_7 = scf.for %scan3A_40 = %scan3A_3 to %scan3A_5 step %scan3A_6 iter_args(%scan3A_41 = %scan3A) -> (i32)  : i32 {
      %swap3A = arith.index_cast %scan3A_40 : i32 to index
      %swap3A_42 = arith.constant 0 : index
      %swap3A_43 = tpu.vector_load %arg13[%swap3A, %swap3A_42] {strides = array<i32>} : memref<125x64xf32, #tpu.memory_space<vmem>>, vector<1x16xf32>,
      %swap3A_44 = vector.shape_cast %swap3A_43 : vector<1x16xf32> to vector<16xf32>
      %swap3A_45 = vector.shape_cast %broadcast_in_dim3A_0 : vector<16xf32> to vector<1x16xf32>
      tpu.vector_store %arg13[%swap3A, %swap3A_42], %swap3A_45 {strides = array<i32>} : memref<125x64xf32, #tpu.memory_space<vmem>>, vector<1x16xf32>,
      %swap3A_46 = arith.index_cast %scan3A_40 : i32 to index
      %swap3A_47 = arith.constant 16 : index
      %swap3A_48 = tpu.vector_load %arg13[%swap3A_46, %swap3A_47] {strides = array<i32>} : memref<125x64xf32, #tpu.memory_space<vmem>>, vector<1x16xf32>,
      %swap3A_49 = vector.shape_cast %swap3A_48 : vector<1x16xf32> to vector<16xf32>
      %swap3A_50 = vector.shape_cast %broadcast_in_dim3A_0 : vector<16xf32> to vector<1x16xf32>
      tpu.vector_store %arg13[%swap3A_46, %swap3A_47], %swap3A_50 {strides = array<i32>} : memref<125x64xf32, #tpu.memory_space<vmem>>, vector<1x16xf32>,
      %swap3A_51 = arith.index_cast %scan3A_40 : i32 to index
      %swap3A_52 = arith.constant 32 : index
      %swap3A_53 = tpu.vector_load %arg13[%swap3A_51, %swap3A_52] {strides = array<i32>} : memref<125x64xf32, #tpu.memory_space<vmem>>, vector<1x16xf32>,
      %swap3A_54 = vector.shape_cast %swap3A_53 : vector<1x16xf32> to vector<16xf32>
      %swap3A_55 = vector.shape_cast %broadcast_in_dim3A_0 : vector<16xf32> to vector<1x16xf32>
      tpu.vector_store %arg13[%swap3A_51, %swap3A_52], %swap3A_55 {strides = array<i32>} : memref<125x64xf32, #tpu.memory_space<vmem>>, vector<1x16xf32>,
      %swap3A_56 = arith.index_cast %scan3A_40 : i32 to index
      %swap3A_57 = arith.constant 48 : index
      %swap3A_58 = tpu.vector_load %arg13[%swap3A_56, %swap3A_57] {strides = array<i32>} : memref<125x64xf32, #tpu.memory_space<vmem>>, vector<1x16xf32>,
      %swap3A_59 = vector.shape_cast %swap3A_58 : vector<1x16xf32> to vector<16xf32>
      %swap3A_60 = vector.shape_cast %broadcast_in_dim3A_0 : vector<16xf32> to vector<1x16xf32>
      tpu.vector_store %arg13[%swap3A_56, %swap3A_57], %swap3A_60 {strides = array<i32>} : memref<125x64xf32, #tpu.memory_space<vmem>>, vector<1x16xf32>,
      %swap3A_61 = arith.index_cast %scan3A_40 : i32 to index
      %swap3A_62 = arith.constant 0 : index
      %swap3A_63 = tpu.vector_load %arg14[%swap3A_61, %swap3A_62] {strides = array<i32>} : memref<125x16xf32, #tpu.memory_space<vmem>>, vector<1x16xf32>,
      %swap3A_64 = vector.shape_cast %swap3A_63 : vector<1x16xf32> to vector<16xf32>
      %swap3A_65 = vector.shape_cast %broadcast_in_dim3A_0 : vector<16xf32> to vector<1x16xf32>
      tpu.vector_store %arg14[%swap3A_61, %swap3A_62], %swap3A_65 {strides = array<i32>} : memref<125x16xf32, #tpu.memory_space<vmem>>, vector<1x16xf32>,
      %scan3A_66 = arith.constant 0 : i32
      scf.yield %scan3A_66 : i32
    }
    %scan3A_8 = arith.constant 125 : i32
    %scan3A_9 = arith.constant 0 : i32
    %scan3A_10 = arith.constant 0 : i32
    %scan3A_11 = arith.constant 128 : i32
    %scan3A_12 = arith.addi %scan3A_10, %scan3A_11 : i32
    %scan3A_13 = arith.constant 1 : i32
    %scan3A_14 = scf.for %scan3A_40 = %scan3A_10 to %scan3A_12 step %scan3A_13 iter_args(%scan3A_41 = %scan3A_9) -> (i32)  : i32 {
      %swap3A = arith.index_cast %scan3A_40 : i32 to index
      %swap3A_42 = arith.constant 0 : index
      %swap3A_43 = tpu.vector_load %arg12[%swap3A, %swap3A_42] {strides = array<i32>} : memref<128x16xf32, #tpu.memory_space<vmem>>, vector<1x16xf32>,
      %swap3A_44 = vector.shape_cast %swap3A_43 : vector<1x16xf32> to vector<16xf32>
      %swap3A_45 = vector.shape_cast %broadcast_in_dim3A_2 : vector<16xf32> to vector<1x16xf32>
      tpu.vector_store %arg12[%swap3A, %swap3A_42], %swap3A_45 {strides = array<i32>} : memref<128x16xf32, #tpu.memory_space<vmem>>, vector<1x16xf32>,
      %scan3A_46 = arith.constant 0 : i32
      scf.yield %scan3A_46 : i32
    }
    %scan3A_15 = arith.constant 128 : i32
    %mul3A = arith.constant 1000 : i32
    %mul3A_16 = arith.muli %arg1, %mul3A : i32
    %lt3A = arith.constant 10 : i32
    %lt3A_17 = arith.cmpi slt, %arg1, %lt3A : i32
    %convert_element_type3A = arith.extui %lt3A_17 : i1 to i32
    %cond3A = arith.constant 0 : i32
    %cond3A_18 = arith.cmpi ne, %convert_element_type3A, %cond3A : i32
    scf.if %cond3A_18 {
      %add3A = arith.constant 0 : i32
      %add3A_40 = arith.addi %mul3A_16, %add3A : i32
      "tpu.region"() ({
        %run_scoped3A = tpu.sem_alloc : memref<!tpu.dma_semaphore, #tpu.memory_space<semaphore_mem>>
        %dma_start3A = arith.constant 0 : i32
        %dma_start3A_71 = tpu.memref_slice %arg15[%add3A_40, %dma_start3A] : memref<10000x64xf32, #tpu.memory_space<vmem_shared>> -> memref<125x64xf32, #tpu.memory_space<vmem_shared>>
        %dma_start3A_72 = arith.constant 0 : i32
        %dma_start3A_73 = tpu.memref_slice %arg15[%add3A_40, %dma_start3A_72] : memref<10000x64xf32, #tpu.memory_space<vmem_shared>> -> memref<125x64xf32, #tpu.memory_space<vmem_shared>>
        tpu.enqueue_dma source(%arg13 : memref<125x64xf32, #tpu.memory_space<vmem>>) target(%dma_start3A_73 : memref<125x64xf32, #tpu.memory_space<vmem_shared>>) target_semaphore(%run_scoped3A : memref<!tpu.dma_semaphore, #tpu.memory_space<semaphore_mem>>)
        %dma_wait3A = arith.constant 0 : i32
        %dma_wait3A_74 = tpu.memref_slice %arg15[%add3A_40, %dma_wait3A] : memref<10000x64xf32, #tpu.memory_space<vmem_shared>> -> memref<125x64xf32, #tpu.memory_space<vmem_shared>>
        %dma_wait3A_75 = arith.constant 0 : i32
        %dma_wait3A_76 = tpu.memref_slice %arg15[%add3A_40, %dma_wait3A_75] : memref<10000x64xf32, #tpu.memory_space<vmem_shared>> -> memref<125x64xf32, #tpu.memory_space<vmem_shared>>
        tpu.wait_dma2 semaphore(%run_scoped3A : memref<!tpu.dma_semaphore, #tpu.memory_space<semaphore_mem>>) src(%arg13 : memref<125x64xf32, #tpu.memory_space<vmem>>) dst(%dma_wait3A_76 : memref<125x64xf32, #tpu.memory_space<vmem_shared>>)
        tpu.yield
      }) : () -> ()
      %add3A_41 = arith.constant 0 : i32
      %add3A_42 = arith.addi %mul3A_16, %add3A_41 : i32
      "tpu.region"() ({
        %run_scoped3A = tpu.sem_alloc : memref<!tpu.dma_semaphore, #tpu.memory_space<semaphore_mem>>
        %dma_start3A = arith.constant 0 : i32
        %dma_start3A_71 = tpu.memref_slice %arg16[%add3A_42, %dma_start3A] : memref<10000x16xf32, #tpu.memory_space<vmem_shared>> -> memref<125x16xf32, #tpu.memory_space<vmem_shared>>
        %dma_start3A_72 = arith.constant 0 : i32
        %dma_start3A_73 = tpu.memref_slice %arg16[%add3A_42, %dma_start3A_72] : memref<10000x16xf32, #tpu.memory_space<vmem_shared>> -> memref<125x16xf32, #tpu.memory_space<vmem_shared>>
        tpu.enqueue_dma source(%arg14 : memref<125x16xf32, #tpu.memory_space<vmem>>) target(%dma_start3A_73 : memref<125x16xf32, #tpu.memory_space<vmem_shared>>) target_semaphore(%run_scoped3A : memref<!tpu.dma_semaphore, #tpu.memory_space<semaphore_mem>>)
        %dma_wait3A = arith.constant 0 : i32
        %dma_wait3A_74 = tpu.memref_slice %arg16[%add3A_42, %dma_wait3A] : memref<10000x16xf32, #tpu.memory_space<vmem_shared>> -> memref<125x16xf32, #tpu.memory_space<vmem_shared>>
        %dma_wait3A_75 = arith.constant 0 : i32
        %dma_wait3A_76 = tpu.memref_slice %arg16[%add3A_42, %dma_wait3A_75] : memref<10000x16xf32, #tpu.memory_space<vmem_shared>> -> memref<125x16xf32, #tpu.memory_space<vmem_shared>>
        tpu.wait_dma2 semaphore(%run_scoped3A : memref<!tpu.dma_semaphore, #tpu.memory_space<semaphore_mem>>) src(%arg14 : memref<125x16xf32, #tpu.memory_space<vmem>>) dst(%dma_wait3A_76 : memref<125x16xf32, #tpu.memory_space<vmem_shared>>)
        tpu.yield
      }) : () -> ()
      %add3A_43 = arith.constant 125 : i32
      %add3A_44 = arith.addi %mul3A_16, %add3A_43 : i32
      "tpu.region"() ({
        %run_scoped3A = tpu.sem_alloc : memref<!tpu.dma_semaphore, #tpu.memory_space<semaphore_mem>>
        %dma_start3A = arith.constant 0 : i32
        %dma_start3A_71 = tpu.memref_slice %arg15[%add3A_44, %dma_start3A] : memref<10000x64xf32, #tpu.memory_space<vmem_shared>> -> memref<125x64xf32, #tpu.memory_space<vmem_shared>>
        %dma_start3A_72 = arith.constant 0 : i32
        %dma_start3A_73 = tpu.memref_slice %arg15[%add3A_44, %dma_start3A_72] : memref<10000x64xf32, #tpu.memory_space<vmem_shared>> -> memref<125x64xf32, #tpu.memory_space<vmem_shared>>
        tpu.enqueue_dma source(%arg13 : memref<125x64xf32, #tpu.memory_space<vmem>>) target(%dma_start3A_73 : memref<125x64xf32, #tpu.memory_space<vmem_shared>>) target_semaphore(%run_scoped3A : memref<!tpu.dma_semaphore, #tpu.memory_space<semaphore_mem>>)
        %dma_wait3A = arith.constant 0 : i32
        %dma_wait3A_74 = tpu.memref_slice %arg15[%add3A_44, %dma_wait3A] : memref<10000x64xf32, #tpu.memory_space<vmem_shared>> -> memref<125x64xf32, #tpu.memory_space<vmem_shared>>
        %dma_wait3A_75 = arith.constant 0 : i32
        %dma_wait3A_76 = tpu.memref_slice %arg15[%add3A_44, %dma_wait3A_75] : memref<10000x64xf32, #tpu.memory_space<vmem_shared>> -> memref<125x64xf32, #tpu.memory_space<vmem_shared>>
        tpu.wait_dma2 semaphore(%run_scoped3A : memref<!tpu.dma_semaphore, #tpu.memory_space<semaphore_mem>>) src(%arg13 : memref<125x64xf32, #tpu.memory_space<vmem>>) dst(%dma_wait3A_76 : memref<125x64xf32, #tpu.memory_space<vmem_shared>>)
        tpu.yield
      }) : () -> ()
      %add3A_45 = arith.constant 125 : i32
      %add3A_46 = arith.addi %mul3A_16, %add3A_45 : i32
      "tpu.region"() ({
        %run_scoped3A = tpu.sem_alloc : memref<!tpu.dma_semaphore, #tpu.memory_space<semaphore_mem>>
        %dma_start3A = arith.constant 0 : i32
        %dma_start3A_71 = tpu.memref_slice %arg16[%add3A_46, %dma_start3A] : memref<10000x16xf32, #tpu.memory_space<vmem_shared>> -> memref<125x16xf32, #tpu.memory_space<vmem_shared>>
        %dma_start3A_72 = arith.constant 0 : i32
        %dma_start3A_73 = tpu.memref_slice %arg16[%add3A_46, %dma_start3A_72] : memref<10000x16xf32, #tpu.memory_space<vmem_shared>> -> memref<125x16xf32, #tpu.memory_space<vmem_shared>>
        tpu.enqueue_dma source(%arg14 : memref<125x16xf32, #tpu.memory_space<vmem>>) target(%dma_start3A_73 : memref<125x16xf32, #tpu.memory_space<vmem_shared>>) target_semaphore(%run_scoped3A : memref<!tpu.dma_semaphore, #tpu.memory_space<semaphore_mem>>)
        %dma_wait3A = arith.constant 0 : i32
        %dma_wait3A_74 = tpu.memref_slice %arg16[%add3A_46, %dma_wait3A] : memref<10000x16xf32, #tpu.memory_space<vmem_shared>> -> memref<125x16xf32, #tpu.memory_space<vmem_shared>>
        %dma_wait3A_75 = arith.constant 0 : i32
        %dma_wait3A_76 = tpu.memref_slice %arg16[%add3A_46, %dma_wait3A_75] : memref<10000x16xf32, #tpu.memory_space<vmem_shared>> -> memref<125x16xf32, #tpu.memory_space<vmem_shared>>
        tpu.wait_dma2 semaphore(%run_scoped3A : memref<!tpu.dma_semaphore, #tpu.memory_space<semaphore_mem>>) src(%arg14 : memref<125x16xf32, #tpu.memory_space<vmem>>) dst(%dma_wait3A_76 : memref<125x16xf32, #tpu.memory_space<vmem_shared>>)
        tpu.yield
      }) : () -> ()
      %add3A_47 = arith.constant 250 : i32
      %add3A_48 = arith.addi %mul3A_16, %add3A_47 : i32
      "tpu.region"() ({
        %run_scoped3A = tpu.sem_alloc : memref<!tpu.dma_semaphore, #tpu.memory_space<semaphore_mem>>
        %dma_start3A = arith.constant 0 : i32
        %dma_start3A_71 = tpu.memref_slice %arg15[%add3A_48, %dma_start3A] : memref<10000x64xf32, #tpu.memory_space<vmem_shared>> -> memref<125x64xf32, #tpu.memory_space<vmem_shared>>
        %dma_start3A_72 = arith.constant 0 : i32
        %dma_start3A_73 = tpu.memref_slice %arg15[%add3A_48, %dma_start3A_72] : memref<10000x64xf32, #tpu.memory_space<vmem_shared>> -> memref<125x64xf32, #tpu.memory_space<vmem_shared>>
        tpu.enqueue_dma source(%arg13 : memref<125x64xf32, #tpu.memory_space<vmem>>) target(%dma_start3A_73 : memref<125x64xf32, #tpu.memory_space<vmem_shared>>) target_semaphore(%run_scoped3A : memref<!tpu.dma_semaphore, #tpu.memory_space<semaphore_mem>>)
        %dma_wait3A = arith.constant 0 : i32
        %dma_wait3A_74 = tpu.memref_slice %arg15[%add3A_48, %dma_wait3A] : memref<10000x64xf32, #tpu.memory_space<vmem_shared>> -> memref<125x64xf32, #tpu.memory_space<vmem_shared>>
        %dma_wait3A_75 = arith.constant 0 : i32
        %dma_wait3A_76 = tpu.memref_slice %arg15[%add3A_48, %dma_wait3A_75] : memref<10000x64xf32, #tpu.memory_space<vmem_shared>> -> memref<125x64xf32, #tpu.memory_space<vmem_shared>>
        tpu.wait_dma2 semaphore(%run_scoped3A : memref<!tpu.dma_semaphore, #tpu.memory_space<semaphore_mem>>) src(%arg13 : memref<125x64xf32, #tpu.memory_space<vmem>>) dst(%dma_wait3A_76 : memref<125x64xf32, #tpu.memory_space<vmem_shared>>)
        tpu.yield
      }) : () -> ()
      %add3A_49 = arith.constant 250 : i32
      %add3A_50 = arith.addi %mul3A_16, %add3A_49 : i32
      "tpu.region"() ({
        %run_scoped3A = tpu.sem_alloc : memref<!tpu.dma_semaphore, #tpu.memory_space<semaphore_mem>>
        %dma_start3A = arith.constant 0 : i32
        %dma_start3A_71 = tpu.memref_slice %arg16[%add3A_50, %dma_start3A] : memref<10000x16xf32, #tpu.memory_space<vmem_shared>> -> memref<125x16xf32, #tpu.memory_space<vmem_shared>>
        %dma_start3A_72 = arith.constant 0 : i32
        %dma_start3A_73 = tpu.memref_slice %arg16[%add3A_50, %dma_start3A_72] : memref<10000x16xf32, #tpu.memory_space<vmem_shared>> -> memref<125x16xf32, #tpu.memory_space<vmem_shared>>
        tpu.enqueue_dma source(%arg14 : memref<125x16xf32, #tpu.memory_space<vmem>>) target(%dma_start3A_73 : memref<125x16xf32, #tpu.memory_space<vmem_shared>>) target_semaphore(%run_scoped3A : memref<!tpu.dma_semaphore, #tpu.memory_space<semaphore_mem>>)
        %dma_wait3A = arith.constant 0 : i32
        %dma_wait3A_74 = tpu.memref_slice %arg16[%add3A_50, %dma_wait3A] : memref<10000x16xf32, #tpu.memory_space<vmem_shared>> -> memref<125x16xf32, #tpu.memory_space<vmem_shared>>
        %dma_wait3A_75 = arith.constant 0 : i32
        %dma_wait3A_76 = tpu.memref_slice %arg16[%add3A_50, %dma_wait3A_75] : memref<10000x16xf32, #tpu.memory_space<vmem_shared>> -> memref<125x16xf32, #tpu.memory_space<vmem_shared>>
        tpu.wait_dma2 semaphore(%run_scoped3A : memref<!tpu.dma_semaphore, #tpu.memory_space<semaphore_mem>>) src(%arg14 : memref<125x16xf32, #tpu.memory_space<vmem>>) dst(%dma_wait3A_76 : memref<125x16xf32, #tpu.memory_space<vmem_shared>>)
        tpu.yield
      }) : () -> ()
      %add3A_51 = arith.constant 375 : i32
      %add3A_52 = arith.addi %mul3A_16, %add3A_51 : i32
      "tpu.region"() ({
        %run_scoped3A = tpu.sem_alloc : memref<!tpu.dma_semaphore, #tpu.memory_space<semaphore_mem>>
        %dma_start3A = arith.constant 0 : i32
        %dma_start3A_71 = tpu.memref_slice %arg15[%add3A_52, %dma_start3A] : memref<10000x64xf32, #tpu.memory_space<vmem_shared>> -> memref<125x64xf32, #tpu.memory_space<vmem_shared>>
        %dma_start3A_72 = arith.constant 0 : i32
        %dma_start3A_73 = tpu.memref_slice %arg15[%add3A_52, %dma_start3A_72] : memref<10000x64xf32, #tpu.memory_space<vmem_shared>> -> memref<125x64xf32, #tpu.memory_space<vmem_shared>>
        tpu.enqueue_dma source(%arg13 : memref<125x64xf32, #tpu.memory_space<vmem>>) target(%dma_start3A_73 : memref<125x64xf32, #tpu.memory_space<vmem_shared>>) target_semaphore(%run_scoped3A : memref<!tpu.dma_semaphore, #tpu.memory_space<semaphore_mem>>)
        %dma_wait3A = arith.constant 0 : i32
        %dma_wait3A_74 = tpu.memref_slice %arg15[%add3A_52, %dma_wait3A] : memref<10000x64xf32, #tpu.memory_space<vmem_shared>> -> memref<125x64xf32, #tpu.memory_space<vmem_shared>>
        %dma_wait3A_75 = arith.constant 0 : i32
        %dma_wait3A_76 = tpu.memref_slice %arg15[%add3A_52, %dma_wait3A_75] : memref<10000x64xf32, #tpu.memory_space<vmem_shared>> -> memref<125x64xf32, #tpu.memory_space<vmem_shared>>
        tpu.wait_dma2 semaphore(%run_scoped3A : memref<!tpu.dma_semaphore, #tpu.memory_space<semaphore_mem>>) src(%arg13 : memref<125x64xf32, #tpu.memory_space<vmem>>) dst(%dma_wait3A_76 : memref<125x64xf32, #tpu.memory_space<vmem_shared>>)
        tpu.yield
      }) : () -> ()
      %add3A_53 = arith.constant 375 : i32
      %add3A_54 = arith.addi %mul3A_16, %add3A_53 : i32
      "tpu.region"() ({
        %run_scoped3A = tpu.sem_alloc : memref<!tpu.dma_semaphore, #tpu.memory_space<semaphore_mem>>
        %dma_start3A = arith.constant 0 : i32
        %dma_start3A_71 = tpu.memref_slice %arg16[%add3A_54, %dma_start3A] : memref<10000x16xf32, #tpu.memory_space<vmem_shared>> -> memref<125x16xf32, #tpu.memory_space<vmem_shared>>
        %dma_start3A_72 = arith.constant 0 : i32
        %dma_start3A_73 = tpu.memref_slice %arg16[%add3A_54, %dma_start3A_72] : memref<10000x16xf32, #tpu.memory_space<vmem_shared>> -> memref<125x16xf32, #tpu.memory_space<vmem_shared>>
        tpu.enqueue_dma source(%arg14 : memref<125x16xf32, #tpu.memory_space<vmem>>) target(%dma_start3A_73 : memref<125x16xf32, #tpu.memory_space<vmem_shared>>) target_semaphore(%run_scoped3A : memref<!tpu.dma_semaphore, #tpu.memory_space<semaphore_mem>>)
        %dma_wait3A = arith.constant 0 : i32
        %dma_wait3A_74 = tpu.memref_slice %arg16[%add3A_54, %dma_wait3A] : memref<10000x16xf32, #tpu.memory_space<vmem_shared>> -> memref<125x16xf32, #tpu.memory_space<vmem_shared>>
        %dma_wait3A_75 = arith.constant 0 : i32
        %dma_wait3A_76 = tpu.memref_slice %arg16[%add3A_54, %dma_wait3A_75] : memref<10000x16xf32, #tpu.memory_space<vmem_shared>> -> memref<125x16xf32, #tpu.memory_space<vmem_shared>>
        tpu.wait_dma2 semaphore(%run_scoped3A : memref<!tpu.dma_semaphore, #tpu.memory_space<semaphore_mem>>) src(%arg14 : memref<125x16xf32, #tpu.memory_space<vmem>>) dst(%dma_wait3A_76 : memref<125x16xf32, #tpu.memory_space<vmem_shared>>)
        tpu.yield
      }) : () -> ()
      %add3A_55 = arith.constant 500 : i32
      %add3A_56 = arith.addi %mul3A_16, %add3A_55 : i32
      "tpu.region"() ({
        %run_scoped3A = tpu.sem_alloc : memref<!tpu.dma_semaphore, #tpu.memory_space<semaphore_mem>>
        %dma_start3A = arith.constant 0 : i32
        %dma_start3A_71 = tpu.memref_slice %arg15[%add3A_56, %dma_start3A] : memref<10000x64xf32, #tpu.memory_space<vmem_shared>> -> memref<125x64xf32, #tpu.memory_space<vmem_shared>>
        %dma_start3A_72 = arith.constant 0 : i32
        %dma_start3A_73 = tpu.memref_slice %arg15[%add3A_56, %dma_start3A_72] : memref<10000x64xf32, #tpu.memory_space<vmem_shared>> -> memref<125x64xf32, #tpu.memory_space<vmem_shared>>
        tpu.enqueue_dma source(%arg13 : memref<125x64xf32, #tpu.memory_space<vmem>>) target(%dma_start3A_73 : memref<125x64xf32, #tpu.memory_space<vmem_shared>>) target_semaphore(%run_scoped3A : memref<!tpu.dma_semaphore, #tpu.memory_space<semaphore_mem>>)
        %dma_wait3A = arith.constant 0 : i32
        %dma_wait3A_74 = tpu.memref_slice %arg15[%add3A_56, %dma_wait3A] : memref<10000x64xf32, #tpu.memory_space<vmem_shared>> -> memref<125x64xf32, #tpu.memory_space<vmem_shared>>
        %dma_wait3A_75 = arith.constant 0 : i32
        %dma_wait3A_76 = tpu.memref_slice %arg15[%add3A_56, %dma_wait3A_75] : memref<10000x64xf32, #tpu.memory_space<vmem_shared>> -> memref<125x64xf32, #tpu.memory_space<vmem_shared>>
        tpu.wait_dma2 semaphore(%run_scoped3A : memref<!tpu.dma_semaphore, #tpu.memory_space<semaphore_mem>>) src(%arg13 : memref<125x64xf32, #tpu.memory_space<vmem>>) dst(%dma_wait3A_76 : memref<125x64xf32, #tpu.memory_space<vmem_shared>>)
        tpu.yield
      }) : () -> ()
      %add3A_57 = arith.constant 500 : i32
      %add3A_58 = arith.addi %mul3A_16, %add3A_57 : i32
      "tpu.region"() ({
        %run_scoped3A = tpu.sem_alloc : memref<!tpu.dma_semaphore, #tpu.memory_space<semaphore_mem>>
        %dma_start3A = arith.constant 0 : i32
        %dma_start3A_71 = tpu.memref_slice %arg16[%add3A_58, %dma_start3A] : memref<10000x16xf32, #tpu.memory_space<vmem_shared>> -> memref<125x16xf32, #tpu.memory_space<vmem_shared>>
        %dma_start3A_72 = arith.constant 0 : i32
        %dma_start3A_73 = tpu.memref_slice %arg16[%add3A_58, %dma_start3A_72] : memref<10000x16xf32, #tpu.memory_space<vmem_shared>> -> memref<125x16xf32, #tpu.memory_space<vmem_shared>>
        tpu.enqueue_dma source(%arg14 : memref<125x16xf32, #tpu.memory_space<vmem>>) target(%dma_start3A_73 : memref<125x16xf32, #tpu.memory_space<vmem_shared>>) target_semaphore(%run_scoped3A : memref<!tpu.dma_semaphore, #tpu.memory_space<semaphore_mem>>)
        %dma_wait3A = arith.constant 0 : i32
        %dma_wait3A_74 = tpu.memref_slice %arg16[%add3A_58, %dma_wait3A] : memref<10000x16xf32, #tpu.memory_space<vmem_shared>> -> memref<125x16xf32, #tpu.memory_space<vmem_shared>>
        %dma_wait3A_75 = arith.constant 0 : i32
        %dma_wait3A_76 = tpu.memref_slice %arg16[%add3A_58, %dma_wait3A_75] : memref<10000x16xf32, #tpu.memory_space<vmem_shared>> -> memref<125x16xf32, #tpu.memory_space<vmem_shared>>
        tpu.wait_dma2 semaphore(%run_scoped3A : memref<!tpu.dma_semaphore, #tpu.memory_space<semaphore_mem>>) src(%arg14 : memref<125x16xf32, #tpu.memory_space<vmem>>) dst(%dma_wait3A_76 : memref<125x16xf32, #tpu.memory_space<vmem_shared>>)
        tpu.yield
      }) : () -> ()
      %add3A_59 = arith.constant 625 : i32
      %add3A_60 = arith.addi %mul3A_16, %add3A_59 : i32
      "tpu.region"() ({
        %run_scoped3A = tpu.sem_alloc : memref<!tpu.dma_semaphore, #tpu.memory_space<semaphore_mem>>
        %dma_start3A = arith.constant 0 : i32
        %dma_start3A_71 = tpu.memref_slice %arg15[%add3A_60, %dma_start3A] : memref<10000x64xf32, #tpu.memory_space<vmem_shared>> -> memref<125x64xf32, #tpu.memory_space<vmem_shared>>
        %dma_start3A_72 = arith.constant 0 : i32
        %dma_start3A_73 = tpu.memref_slice %arg15[%add3A_60, %dma_start3A_72] : memref<10000x64xf32, #tpu.memory_space<vmem_shared>> -> memref<125x64xf32, #tpu.memory_space<vmem_shared>>
        tpu.enqueue_dma source(%arg13 : memref<125x64xf32, #tpu.memory_space<vmem>>) target(%dma_start3A_73 : memref<125x64xf32, #tpu.memory_space<vmem_shared>>) target_semaphore(%run_scoped3A : memref<!tpu.dma_semaphore, #tpu.memory_space<semaphore_mem>>)
        %dma_wait3A = arith.constant 0 : i32
        %dma_wait3A_74 = tpu.memref_slice %arg15[%add3A_60, %dma_wait3A] : memref<10000x64xf32, #tpu.memory_space<vmem_shared>> -> memref<125x64xf32, #tpu.memory_space<vmem_shared>>
        %dma_wait3A_75 = arith.constant 0 : i32
        %dma_wait3A_76 = tpu.memref_slice %arg15[%add3A_60, %dma_wait3A_75] : memref<10000x64xf32, #tpu.memory_space<vmem_shared>> -> memref<125x64xf32, #tpu.memory_space<vmem_shared>>
        tpu.wait_dma2 semaphore(%run_scoped3A : memref<!tpu.dma_semaphore, #tpu.memory_space<semaphore_mem>>) src(%arg13 : memref<125x64xf32, #tpu.memory_space<vmem>>) dst(%dma_wait3A_76 : memref<125x64xf32, #tpu.memory_space<vmem_shared>>)
        tpu.yield
      }) : () -> ()
      %add3A_61 = arith.constant 625 : i32
      %add3A_62 = arith.addi %mul3A_16, %add3A_61 : i32
      "tpu.region"() ({
        %run_scoped3A = tpu.sem_alloc : memref<!tpu.dma_semaphore, #tpu.memory_space<semaphore_mem>>
        %dma_start3A = arith.constant 0 : i32
        %dma_start3A_71 = tpu.memref_slice %arg16[%add3A_62, %dma_start3A] : memref<10000x16xf32, #tpu.memory_space<vmem_shared>> -> memref<125x16xf32, #tpu.memory_space<vmem_shared>>
        %dma_start3A_72 = arith.constant 0 : i32
        %dma_start3A_73 = tpu.memref_slice %arg16[%add3A_62, %dma_start3A_72] : memref<10000x16xf32, #tpu.memory_space<vmem_shared>> -> memref<125x16xf32, #tpu.memory_space<vmem_shared>>
        tpu.enqueue_dma source(%arg14 : memref<125x16xf32, #tpu.memory_space<vmem>>) target(%dma_start3A_73 : memref<125x16xf32, #tpu.memory_space<vmem_shared>>) target_semaphore(%run_scoped3A : memref<!tpu.dma_semaphore, #tpu.memory_space<semaphore_mem>>)
        %dma_wait3A = arith.constant 0 : i32
        %dma_wait3A_74 = tpu.memref_slice %arg16[%add3A_62, %dma_wait3A] : memref<10000x16xf32, #tpu.memory_space<vmem_shared>> -> memref<125x16xf32, #tpu.memory_space<vmem_shared>>
        %dma_wait3A_75 = arith.constant 0 : i32
        %dma_wait3A_76 = tpu.memref_slice %arg16[%add3A_62, %dma_wait3A_75] : memref<10000x16xf32, #tpu.memory_space<vmem_shared>> -> memref<125x16xf32, #tpu.memory_space<vmem_shared>>
        tpu.wait_dma2 semaphore(%run_scoped3A : memref<!tpu.dma_semaphore, #tpu.memory_space<semaphore_mem>>) src(%arg14 : memref<125x16xf32, #tpu.memory_space<vmem>>) dst(%dma_wait3A_76 : memref<125x16xf32, #tpu.memory_space<vmem_shared>>)
        tpu.yield
      }) : () -> ()
      %add3A_63 = arith.constant 750 : i32
      %add3A_64 = arith.addi %mul3A_16, %add3A_63 : i32
      "tpu.region"() ({
        %run_scoped3A = tpu.sem_alloc : memref<!tpu.dma_semaphore, #tpu.memory_space<semaphore_mem>>
        %dma_start3A = arith.constant 0 : i32
        %dma_start3A_71 = tpu.memref_slice %arg15[%add3A_64, %dma_start3A] : memref<10000x64xf32, #tpu.memory_space<vmem_shared>> -> memref<125x64xf32, #tpu.memory_space<vmem_shared>>
        %dma_start3A_72 = arith.constant 0 : i32
        %dma_start3A_73 = tpu.memref_slice %arg15[%add3A_64, %dma_start3A_72] : memref<10000x64xf32, #tpu.memory_space<vmem_shared>> -> memref<125x64xf32, #tpu.memory_space<vmem_shared>>
        tpu.enqueue_dma source(%arg13 : memref<125x64xf32, #tpu.memory_space<vmem>>) target(%dma_start3A_73 : memref<125x64xf32, #tpu.memory_space<vmem_shared>>) target_semaphore(%run_scoped3A : memref<!tpu.dma_semaphore, #tpu.memory_space<semaphore_mem>>)
        %dma_wait3A = arith.constant 0 : i32
        %dma_wait3A_74 = tpu.memref_slice %arg15[%add3A_64, %dma_wait3A] : memref<10000x64xf32, #tpu.memory_space<vmem_shared>> -> memref<125x64xf32, #tpu.memory_space<vmem_shared>>
        %dma_wait3A_75 = arith.constant 0 : i32
        %dma_wait3A_76 = tpu.memref_slice %arg15[%add3A_64, %dma_wait3A_75] : memref<10000x64xf32, #tpu.memory_space<vmem_shared>> -> memref<125x64xf32, #tpu.memory_space<vmem_shared>>
        tpu.wait_dma2 semaphore(%run_scoped3A : memref<!tpu.dma_semaphore, #tpu.memory_space<semaphore_mem>>) src(%arg13 : memref<125x64xf32, #tpu.memory_space<vmem>>) dst(%dma_wait3A_76 : memref<125x64xf32, #tpu.memory_space<vmem_shared>>)
        tpu.yield
      }) : () -> ()
      %add3A_65 = arith.constant 750 : i32
      %add3A_66 = arith.addi %mul3A_16, %add3A_65 : i32
      "tpu.region"() ({
        %run_scoped3A = tpu.sem_alloc : memref<!tpu.dma_semaphore, #tpu.memory_space<semaphore_mem>>
        %dma_start3A = arith.constant 0 : i32
        %dma_start3A_71 = tpu.memref_slice %arg16[%add3A_66, %dma_start3A] : memref<10000x16xf32, #tpu.memory_space<vmem_shared>> -> memref<125x16xf32, #tpu.memory_space<vmem_shared>>
        %dma_start3A_72 = arith.constant 0 : i32
        %dma_start3A_73 = tpu.memref_slice %arg16[%add3A_66, %dma_start3A_72] : memref<10000x16xf32, #tpu.memory_space<vmem_shared>> -> memref<125x16xf32, #tpu.memory_space<vmem_shared>>
        tpu.enqueue_dma source(%arg14 : memref<125x16xf32, #tpu.memory_space<vmem>>) target(%dma_start3A_73 : memref<125x16xf32, #tpu.memory_space<vmem_shared>>) target_semaphore(%run_scoped3A : memref<!tpu.dma_semaphore, #tpu.memory_space<semaphore_mem>>)
        %dma_wait3A = arith.constant 0 : i32
        %dma_wait3A_74 = tpu.memref_slice %arg16[%add3A_66, %dma_wait3A] : memref<10000x16xf32, #tpu.memory_space<vmem_shared>> -> memref<125x16xf32, #tpu.memory_space<vmem_shared>>
        %dma_wait3A_75 = arith.constant 0 : i32
        %dma_wait3A_76 = tpu.memref_slice %arg16[%add3A_66, %dma_wait3A_75] : memref<10000x16xf32, #tpu.memory_space<vmem_shared>> -> memref<125x16xf32, #tpu.memory_space<vmem_shared>>
        tpu.wait_dma2 semaphore(%run_scoped3A : memref<!tpu.dma_semaphore, #tpu.memory_space<semaphore_mem>>) src(%arg14 : memref<125x16xf32, #tpu.memory_space<vmem>>) dst(%dma_wait3A_76 : memref<125x16xf32, #tpu.memory_space<vmem_shared>>)
        tpu.yield
      }) : () -> ()
      %add3A_67 = arith.constant 875 : i32
      %add3A_68 = arith.addi %mul3A_16, %add3A_67 : i32
      "tpu.region"() ({
        %run_scoped3A = tpu.sem_alloc : memref<!tpu.dma_semaphore, #tpu.memory_space<semaphore_mem>>
        %dma_start3A = arith.constant 0 : i32
        %dma_start3A_71 = tpu.memref_slice %arg15[%add3A_68, %dma_start3A] : memref<10000x64xf32, #tpu.memory_space<vmem_shared>> -> memref<125x64xf32, #tpu.memory_space<vmem_shared>>
        %dma_start3A_72 = arith.constant 0 : i32
        %dma_start3A_73 = tpu.memref_slice %arg15[%add3A_68, %dma_start3A_72] : memref<10000x64xf32, #tpu.memory_space<vmem_shared>> -> memref<125x64xf32, #tpu.memory_space<vmem_shared>>
        tpu.enqueue_dma source(%arg13 : memref<125x64xf32, #tpu.memory_space<vmem>>) target(%dma_start3A_73 : memref<125x64xf32, #tpu.memory_space<vmem_shared>>) target_semaphore(%run_scoped3A : memref<!tpu.dma_semaphore, #tpu.memory_space<semaphore_mem>>)
        %dma_wait3A = arith.constant 0 : i32
        %dma_wait3A_74 = tpu.memref_slice %arg15[%add3A_68, %dma_wait3A] : memref<10000x64xf32, #tpu.memory_space<vmem_shared>> -> memref<125x64xf32, #tpu.memory_space<vmem_shared>>
        %dma_wait3A_75 = arith.constant 0 : i32
        %dma_wait3A_76 = tpu.memref_slice %arg15[%add3A_68, %dma_wait3A_75] : memref<10000x64xf32, #tpu.memory_space<vmem_shared>> -> memref<125x64xf32, #tpu.memory_space<vmem_shared>>
        tpu.wait_dma2 semaphore(%run_scoped3A : memref<!tpu.dma_semaphore, #tpu.memory_space<semaphore_mem>>) src(%arg13 : memref<125x64xf32, #tpu.memory_space<vmem>>) dst(%dma_wait3A_76 : memref<125x64xf32, #tpu.memory_space<vmem_shared>>)
        tpu.yield
      }) : () -> ()
      %add3A_69 = arith.constant 875 : i32
      %add3A_70 = arith.addi %mul3A_16, %add3A_69 : i32
      "tpu.region"() ({
        %run_scoped3A = tpu.sem_alloc : memref<!tpu.dma_semaphore, #tpu.memory_space<semaphore_mem>>
        %dma_start3A = arith.constant 0 : i32
        %dma_start3A_71 = tpu.memref_slice %arg16[%add3A_70, %dma_start3A] : memref<10000x16xf32, #tpu.memory_space<vmem_shared>> -> memref<125x16xf32, #tpu.memory_space<vmem_shared>>
        %dma_start3A_72 = arith.constant 0 : i32
        %dma_start3A_73 = tpu.memref_slice %arg16[%add3A_70, %dma_start3A_72] : memref<10000x16xf32, #tpu.memory_space<vmem_shared>> -> memref<125x16xf32, #tpu.memory_space<vmem_shared>>
        tpu.enqueue_dma source(%arg14 : memref<125x16xf32, #tpu.memory_space<vmem>>) target(%dma_start3A_73 : memref<125x16xf32, #tpu.memory_space<vmem_shared>>) target_semaphore(%run_scoped3A : memref<!tpu.dma_semaphore, #tpu.memory_space<semaphore_mem>>)
        %dma_wait3A = arith.constant 0 : i32
        %dma_wait3A_74 = tpu.memref_slice %arg16[%add3A_70, %dma_wait3A] : memref<10000x16xf32, #tpu.memory_space<vmem_shared>> -> memref<125x16xf32, #tpu.memory_space<vmem_shared>>
        %dma_wait3A_75 = arith.constant 0 : i32
        %dma_wait3A_76 = tpu.memref_slice %arg16[%add3A_70, %dma_wait3A_75] : memref<10000x16xf32, #tpu.memory_space<vmem_shared>> -> memref<125x16xf32, #tpu.memory_space<vmem_shared>>
        tpu.wait_dma2 semaphore(%run_scoped3A : memref<!tpu.dma_semaphore, #tpu.memory_space<semaphore_mem>>) src(%arg14 : memref<125x16xf32, #tpu.memory_space<vmem>>) dst(%dma_wait3A_76 : memref<125x16xf32, #tpu.memory_space<vmem_shared>>)
        tpu.yield
      }) : () -> ()
    } else {
    }
    %barrier3A = arith.constant 0 : index
    tpu.barrier barrier_id(%barrier3A)
    %lt3A_19 = arith.constant 4 : i32
    %lt3A_20 = arith.cmpi slt, %arg1, %lt3A_19 : i32
    %jit3A = arith.constant 157 : i32
    %jit3A_21 = arith.constant 156 : i32
    %select_n3A = arith.select %lt3A_20, %jit3A, %jit3A_21 : i32
    %eq3A = arith.constant 0 : i32
    %eq3A_22 = arith.cmpi eq, %arg0, %eq3A : i32
    %while3A = arith.constant 0 : i32
    %while3A_23 = arith.constant 0 : i32
    %while3A_24 = arith.subi %select_n3A, %while3A : i32
    %while3A_25 = arith.addi %while3A, %while3A_24 : i32
    %while3A_26 = arith.constant 1 : i32
    %while3A_27 = arith.divsi %while3A_24, %while3A_26 : i32
    %while3A_28 = arith.muli %while3A_27, %while3A_26 : i32
    %while3A_29 = arith.addi %while3A, %while3A_28 : i32
    %while3A_30 = arith.constant 1 : i32
    %while3A_31 = scf.for %while3A_40 = %while3A to %while3A_29 step %while3A_30 iter_args(%while3A_41 = %while3A_23) -> (i32)  : i32 {
      %mul3A_42 = arith.constant 16 : i32
      %mul3A_43 = arith.muli %while3A_40, %mul3A_42 : i32
      %add3A = arith.addi %arg1, %mul3A_43 : i32
      %mul3A_44 = arith.constant 128 : i32
      %mul3A_45 = arith.muli %add3A, %mul3A_44 : i32
      "tpu.region"() ({
        %run_scoped3A = tpu.sem_alloc : memref<!tpu.dma_semaphore, #tpu.memory_space<semaphore_mem>>
        %dma_start3A_83 = tpu.memref_slice %arg2[%mul3A_45] : memref<320000xi32, #tpu.memory_space<hbm>> -> memref<128xi32, #tpu.memory_space<hbm>>
        %dma_start3A_84 = tpu.memref_slice %arg2[%mul3A_45] : memref<320000xi32, #tpu.memory_space<hbm>> -> memref<128xi32, #tpu.memory_space<hbm>>
        tpu.enqueue_dma source(%dma_start3A_84 : memref<128xi32, #tpu.memory_space<hbm>>) target(%arg8 : memref<128xi32, #tpu.memory_space<vmem>>) target_semaphore(%run_scoped3A : memref<!tpu.dma_semaphore, #tpu.memory_space<semaphore_mem>>)
        %dma_wait3A_85 = tpu.memref_slice %arg2[%mul3A_45] : memref<320000xi32, #tpu.memory_space<hbm>> -> memref<128xi32, #tpu.memory_space<hbm>>
        %dma_wait3A_86 = tpu.memref_slice %arg2[%mul3A_45] : memref<320000xi32, #tpu.memory_space<hbm>> -> memref<128xi32, #tpu.memory_space<hbm>>
        tpu.wait_dma2 semaphore(%run_scoped3A : memref<!tpu.dma_semaphore, #tpu.memory_space<semaphore_mem>>) src(%dma_wait3A_86 : memref<128xi32, #tpu.memory_space<hbm>>) dst(%arg8 : memref<128xi32, #tpu.memory_space<vmem>>)
        tpu.yield
      }) : () -> ()
      "tpu.region"() ({
        %run_scoped3A = tpu.sem_alloc : memref<!tpu.dma_semaphore, #tpu.memory_space<semaphore_mem>>
        %dma_start3A_83 = tpu.memref_slice %arg3[%mul3A_45] : memref<320000xi32, #tpu.memory_space<hbm>> -> memref<128xi32, #tpu.memory_space<hbm>>
        %dma_start3A_84 = tpu.memref_slice %arg3[%mul3A_45] : memref<320000xi32, #tpu.memory_space<hbm>> -> memref<128xi32, #tpu.memory_space<hbm>>
        tpu.enqueue_dma source(%dma_start3A_84 : memref<128xi32, #tpu.memory_space<hbm>>) target(%arg9 : memref<128xi32, #tpu.memory_space<vmem>>) target_semaphore(%run_scoped3A : memref<!tpu.dma_semaphore, #tpu.memory_space<semaphore_mem>>)
        %dma_wait3A_85 = tpu.memref_slice %arg3[%mul3A_45] : memref<320000xi32, #tpu.memory_space<hbm>> -> memref<128xi32, #tpu.memory_space<hbm>>
        %dma_wait3A_86 = tpu.memref_slice %arg3[%mul3A_45] : memref<320000xi32, #tpu.memory_space<hbm>> -> memref<128xi32, #tpu.memory_space<hbm>>
        tpu.wait_dma2 semaphore(%run_scoped3A : memref<!tpu.dma_semaphore, #tpu.memory_space<semaphore_mem>>) src(%dma_wait3A_86 : memref<128xi32, #tpu.memory_space<hbm>>) dst(%arg9 : memref<128xi32, #tpu.memory_space<vmem>>)
        tpu.yield
      }) : () -> ()
      %dma_start3A = arith.constant 0 : i32
      %dma_start3A_46 = arith.constant 0 : i32
      %dma_start3A_47 = tpu.memref_slice %arg4[%arg0, %dma_start3A, %dma_start3A_46] : memref<2x10000x64xf32, #tpu.memory_space<hbm>> -> memref<1x10000x64xf32, #tpu.memory_space<hbm>>
      %dma_start3A_48 = tpu.memref_squeeze %dma_start3A_47 : memref<1x10000x64xf32, #tpu.memory_space<hbm>> -> memref<10000x64xf32, #tpu.memory_space<hbm>>
      %dma_start3A_49 = arith.constant 0 : i32
      %dma_start3A_50 = arith.constant 0 : i32
      %dma_start3A_51 = tpu.memref_slice %dma_start3A_48[%dma_start3A_49, %dma_start3A_50] : memref<10000x64xf32, #tpu.memory_space<hbm>> -> memref<10000x64xf32, #tpu.memory_space<hbm>>
      tpu.enqueue_indirect_dma source(%dma_start3A_51 : memref<10000x64xf32, #tpu.memory_space<hbm>>) target(%arg10 : memref<128x64xf32, #tpu.memory_space<vmem>>) offsets(%arg9 : memref<128xi32, #tpu.memory_space<vmem>>) semaphore(%arg17 : memref<!tpu.dma_semaphore, #tpu.memory_space<semaphore_mem>>)
      %dma_start3A_52 = arith.constant 0 : i32
      %dma_start3A_53 = arith.constant 0 : i32
      %dma_start3A_54 = tpu.memref_slice %arg5[%arg0, %dma_start3A_52, %dma_start3A_53] : memref<2x10000x64xf32, #tpu.memory_space<hbm>> -> memref<1x10000x64xf32, #tpu.memory_space<hbm>>
      %dma_start3A_55 = tpu.memref_squeeze %dma_start3A_54 : memref<1x10000x64xf32, #tpu.memory_space<hbm>> -> memref<10000x64xf32, #tpu.memory_space<hbm>>
      %dma_start3A_56 = arith.constant 0 : i32
      %dma_start3A_57 = arith.constant 0 : i32
      %dma_start3A_58 = tpu.memref_slice %dma_start3A_55[%dma_start3A_56, %dma_start3A_57] : memref<10000x64xf32, #tpu.memory_space<hbm>> -> memref<10000x64xf32, #tpu.memory_space<hbm>>
      tpu.enqueue_indirect_dma source(%dma_start3A_58 : memref<10000x64xf32, #tpu.memory_space<hbm>>) target(%arg11 : memref<128x64xf32, #tpu.memory_space<vmem>>) offsets(%arg8 : memref<128xi32, #tpu.memory_space<vmem>>) semaphore(%arg18 : memref<!tpu.dma_semaphore, #tpu.memory_space<semaphore_mem>>)
      %dma_wait3A = arith.constant 0 : i32
      %dma_wait3A_59 = arith.constant 0 : i32
      %dma_wait3A_60 = tpu.memref_slice %arg4[%arg0, %dma_wait3A, %dma_wait3A_59] : memref<2x10000x64xf32, #tpu.memory_space<hbm>> -> memref<1x10000x64xf32, #tpu.memory_space<hbm>>
      %dma_wait3A_61 = tpu.memref_squeeze %dma_wait3A_60 : memref<1x10000x64xf32, #tpu.memory_space<hbm>> -> memref<10000x64xf32, #tpu.memory_space<hbm>>
      %dma_wait3A_62 = arith.constant 0 : i32
      %dma_wait3A_63 = arith.constant 0 : i32
      %dma_wait3A_64 = tpu.memref_slice %dma_wait3A_61[%dma_wait3A_62, %dma_wait3A_63] : memref<10000x64xf32, #tpu.memory_space<hbm>> -> memref<10000x64xf32, #tpu.memory_space<hbm>>
      tpu.wait_indirect_dma semaphore(%arg17 : memref<!tpu.dma_semaphore, #tpu.memory_space<semaphore_mem>>) src(%dma_wait3A_64 : memref<10000x64xf32, #tpu.memory_space<hbm>>) dst(%arg10 : memref<128x64xf32, #tpu.memory_space<vmem>>)
      %dma_wait3A_65 = arith.constant 0 : i32
      %dma_wait3A_66 = arith.constant 0 : i32
      %dma_wait3A_67 = tpu.memref_slice %arg5[%arg0, %dma_wait3A_65, %dma_wait3A_66] : memref<2x10000x64xf32, #tpu.memory_space<hbm>> -> memref<1x10000x64xf32, #tpu.memory_space<hbm>>
      %dma_wait3A_68 = tpu.memref_squeeze %dma_wait3A_67 : memref<1x10000x64xf32, #tpu.memory_space<hbm>> -> memref<10000x64xf32, #tpu.memory_space<hbm>>
      %dma_wait3A_69 = arith.constant 0 : i32
      %dma_wait3A_70 = arith.constant 0 : i32
      %dma_wait3A_71 = tpu.memref_slice %dma_wait3A_68[%dma_wait3A_69, %dma_wait3A_70] : memref<10000x64xf32, #tpu.memory_space<hbm>> -> memref<10000x64xf32, #tpu.memory_space<hbm>>
      tpu.wait_indirect_dma semaphore(%arg18 : memref<!tpu.dma_semaphore, #tpu.memory_space<semaphore_mem>>) src(%dma_wait3A_71 : memref<10000x64xf32, #tpu.memory_space<hbm>>) dst(%arg11 : memref<128x64xf32, #tpu.memory_space<vmem>>)
      %scan3A_72 = arith.constant 0 : i32
      %scan3A_73 = arith.constant 0 : i32
      %scan3A_74 = arith.constant 128 : i32
      %scan3A_75 = arith.addi %scan3A_73, %scan3A_74 : i32
      %scan3A_76 = arith.constant 1 : i32
      %scan3A_77 = scf.for %scan3A_83 = %scan3A_73 to %scan3A_75 step %scan3A_76 iter_args(%scan3A_84 = %scan3A_72) -> (i32)  : i32 {
        %get3A = arith.index_cast %scan3A_83 : i32 to index
        %get3A_85 = arith.constant 0 : index
        %get3A_86 = tpu.vector_load %arg10[%get3A, %get3A_85] {strides = array<i32>} : memref<128x64xf32, #tpu.memory_space<vmem>>, vector<1x16xf32>,
        %get3A_87 = vector.shape_cast %get3A_86 : vector<1x16xf32> to vector<16xf32>
        %get3A_88 = arith.index_cast %scan3A_83 : i32 to index
        %get3A_89 = arith.constant 0 : index
        %get3A_90 = tpu.vector_load %arg11[%get3A_88, %get3A_89] {strides = array<i32>} : memref<128x64xf32, #tpu.memory_space<vmem>>, vector<1x16xf32>,
        %get3A_91 = vector.shape_cast %get3A_90 : vector<1x16xf32> to vector<16xf32>
        %add3A_92 = arith.addf %get3A_87, %get3A_91 : vector<16xf32>
        %max3A = arith.constant 0.000000e+00 : f32
        %max3A_93 = vector.broadcast %max3A : f32 to vector<16xf32>
        %max3A_94 = arith.maximumf %add3A_92, %max3A_93 : vector<16xf32>
        %swap3A = arith.index_cast %scan3A_83 : i32 to index
        %swap3A_95 = arith.constant 0 : index
        %swap3A_96 = tpu.vector_load %arg10[%swap3A, %swap3A_95] {strides = array<i32>} : memref<128x64xf32, #tpu.memory_space<vmem>>, vector<1x16xf32>,
        %swap3A_97 = vector.shape_cast %swap3A_96 : vector<1x16xf32> to vector<16xf32>
        %swap3A_98 = vector.shape_cast %max3A_94 : vector<16xf32> to vector<1x16xf32>
        tpu.vector_store %arg10[%swap3A, %swap3A_95], %swap3A_98 {strides = array<i32>} : memref<128x64xf32, #tpu.memory_space<vmem>>, vector<1x16xf32>,
        %get3A_99 = arith.index_cast %scan3A_83 : i32 to index
        %get3A_100 = arith.constant 16 : index
        %get3A_101 = tpu.vector_load %arg10[%get3A_99, %get3A_100] {strides = array<i32>} : memref<128x64xf32, #tpu.memory_space<vmem>>, vector<1x16xf32>,
        %get3A_102 = vector.shape_cast %get3A_101 : vector<1x16xf32> to vector<16xf32>
        %get3A_103 = arith.index_cast %scan3A_83 : i32 to index
        %get3A_104 = arith.constant 16 : index
        %get3A_105 = tpu.vector_load %arg11[%get3A_103, %get3A_104] {strides = array<i32>} : memref<128x64xf32, #tpu.memory_space<vmem>>, vector<1x16xf32>,
        %get3A_106 = vector.shape_cast %get3A_105 : vector<1x16xf32> to vector<16xf32>
        %add3A_107 = arith.addf %get3A_102, %get3A_106 : vector<16xf32>
        %max3A_108 = arith.constant 0.000000e+00 : f32
        %max3A_109 = vector.broadcast %max3A_108 : f32 to vector<16xf32>
        %max3A_110 = arith.maximumf %add3A_107, %max3A_109 : vector<16xf32>
        %swap3A_111 = arith.index_cast %scan3A_83 : i32 to index
        %swap3A_112 = arith.constant 16 : index
        %swap3A_113 = tpu.vector_load %arg10[%swap3A_111, %swap3A_112] {strides = array<i32>} : memref<128x64xf32, #tpu.memory_space<vmem>>, vector<1x16xf32>,
        %swap3A_114 = vector.shape_cast %swap3A_113 : vector<1x16xf32> to vector<16xf32>
        %swap3A_115 = vector.shape_cast %max3A_110 : vector<16xf32> to vector<1x16xf32>
        tpu.vector_store %arg10[%swap3A_111, %swap3A_112], %swap3A_115 {strides = array<i32>} : memref<128x64xf32, #tpu.memory_space<vmem>>, vector<1x16xf32>,
        %get3A_116 = arith.index_cast %scan3A_83 : i32 to index
        %get3A_117 = arith.constant 32 : index
        %get3A_118 = tpu.vector_load %arg10[%get3A_116, %get3A_117] {strides = array<i32>} : memref<128x64xf32, #tpu.memory_space<vmem>>, vector<1x16xf32>,
        %get3A_119 = vector.shape_cast %get3A_118 : vector<1x16xf32> to vector<16xf32>
        %get3A_120 = arith.index_cast %scan3A_83 : i32 to index
        %get3A_121 = arith.constant 32 : index
        %get3A_122 = tpu.vector_load %arg11[%get3A_120, %get3A_121] {strides = array<i32>} : memref<128x64xf32, #tpu.memory_space<vmem>>, vector<1x16xf32>,
        %get3A_123 = vector.shape_cast %get3A_122 : vector<1x16xf32> to vector<16xf32>
        %add3A_124 = arith.addf %get3A_119, %get3A_123 : vector<16xf32>
        %max3A_125 = arith.constant 0.000000e+00 : f32
        %max3A_126 = vector.broadcast %max3A_125 : f32 to vector<16xf32>
        %max3A_127 = arith.maximumf %add3A_124, %max3A_126 : vector<16xf32>
        %swap3A_128 = arith.index_cast %scan3A_83 : i32 to index
        %swap3A_129 = arith.constant 32 : index
        %swap3A_130 = tpu.vector_load %arg10[%swap3A_128, %swap3A_129] {strides = array<i32>} : memref<128x64xf32, #tpu.memory_space<vmem>>, vector<1x16xf32>,
        %swap3A_131 = vector.shape_cast %swap3A_130 : vector<1x16xf32> to vector<16xf32>
        %swap3A_132 = vector.shape_cast %max3A_127 : vector<16xf32> to vector<1x16xf32>
        tpu.vector_store %arg10[%swap3A_128, %swap3A_129], %swap3A_132 {strides = array<i32>} : memref<128x64xf32, #tpu.memory_space<vmem>>, vector<1x16xf32>,
        %get3A_133 = arith.index_cast %scan3A_83 : i32 to index
        %get3A_134 = arith.constant 48 : index
        %get3A_135 = tpu.vector_load %arg10[%get3A_133, %get3A_134] {strides = array<i32>} : memref<128x64xf32, #tpu.memory_space<vmem>>, vector<1x16xf32>,
        %get3A_136 = vector.shape_cast %get3A_135 : vector<1x16xf32> to vector<16xf32>
        %get3A_137 = arith.index_cast %scan3A_83 : i32 to index
        %get3A_138 = arith.constant 48 : index
        %get3A_139 = tpu.vector_load %arg11[%get3A_137, %get3A_138] {strides = array<i32>} : memref<128x64xf32, #tpu.memory_space<vmem>>, vector<1x16xf32>,
        %get3A_140 = vector.shape_cast %get3A_139 : vector<1x16xf32> to vector<16xf32>
        %add3A_141 = arith.addf %get3A_136, %get3A_140 : vector<16xf32>
        %max3A_142 = arith.constant 0.000000e+00 : f32
        %max3A_143 = vector.broadcast %max3A_142 : f32 to vector<16xf32>
        %max3A_144 = arith.maximumf %add3A_141, %max3A_143 : vector<16xf32>
        %swap3A_145 = arith.index_cast %scan3A_83 : i32 to index
        %swap3A_146 = arith.constant 48 : index
        %swap3A_147 = tpu.vector_load %arg10[%swap3A_145, %swap3A_146] {strides = array<i32>} : memref<128x64xf32, #tpu.memory_space<vmem>>, vector<1x16xf32>,
        %swap3A_148 = vector.shape_cast %swap3A_147 : vector<1x16xf32> to vector<16xf32>
        %swap3A_149 = vector.shape_cast %max3A_144 : vector<16xf32> to vector<1x16xf32>
        tpu.vector_store %arg10[%swap3A_145, %swap3A_146], %swap3A_149 {strides = array<i32>} : memref<128x64xf32, #tpu.memory_space<vmem>>, vector<1x16xf32>,
        %scan3A_150 = arith.constant 0 : i32
        scf.yield %scan3A_150 : i32
      }
      %scan3A_78 = arith.constant 128 : i32
      "tpu.region"() ({
        %run_scoped3A = tpu.sem_alloc : memref<!tpu.dma_semaphore, #tpu.memory_space<semaphore_mem>>
        %dma_start3A_83 = arith.constant 0 : i32
        %dma_start3A_84 = arith.constant 0 : i32
        %dma_start3A_85 = tpu.memref_slice %arg15[%dma_start3A_83, %dma_start3A_84] : memref<10000x64xf32, #tpu.memory_space<vmem_shared>> -> memref<10000x64xf32, #tpu.memory_space<vmem_shared>>
        tpu.enqueue_indirect_dma source(%arg10 : memref<128x64xf32, #tpu.memory_space<vmem>>) target(%dma_start3A_85 : memref<10000x64xf32, #tpu.memory_space<vmem_shared>>) offsets(%arg9 : memref<128xi32, #tpu.memory_space<vmem>>) semaphore(%run_scoped3A : memref<!tpu.dma_semaphore, #tpu.memory_space<semaphore_mem>>) {add = true}
        %dma_wait3A_86 = arith.constant 0 : i32
        %dma_wait3A_87 = arith.constant 0 : i32
        %dma_wait3A_88 = tpu.memref_slice %arg15[%dma_wait3A_86, %dma_wait3A_87] : memref<10000x64xf32, #tpu.memory_space<vmem_shared>> -> memref<10000x64xf32, #tpu.memory_space<vmem_shared>>
        tpu.wait_indirect_dma semaphore(%run_scoped3A : memref<!tpu.dma_semaphore, #tpu.memory_space<semaphore_mem>>) src(%arg10 : memref<128x64xf32, #tpu.memory_space<vmem>>) dst(%dma_wait3A_88 : memref<10000x64xf32, #tpu.memory_space<vmem_shared>>)
        tpu.yield
      }) : () -> ()
      %convert_element_type3A_79 = arith.extui %eq3A_22 : i1 to i32
      %cond3A_80 = arith.constant 0 : i32
      %cond3A_81 = arith.cmpi ne, %convert_element_type3A_79, %cond3A_80 : i32
      scf.if %cond3A_81 {
        "tpu.region"() ({
          %run_scoped3A = tpu.sem_alloc : memref<!tpu.dma_semaphore, #tpu.memory_space<semaphore_mem>>
          %dma_start3A_83 = arith.constant 0 : i32
          %dma_start3A_84 = arith.constant 0 : i32
          %dma_start3A_85 = tpu.memref_slice %arg16[%dma_start3A_83, %dma_start3A_84] : memref<10000x16xf32, #tpu.memory_space<vmem_shared>> -> memref<10000x16xf32, #tpu.memory_space<vmem_shared>>
          tpu.enqueue_indirect_dma source(%arg12 : memref<128x16xf32, #tpu.memory_space<vmem>>) target(%dma_start3A_85 : memref<10000x16xf32, #tpu.memory_space<vmem_shared>>) offsets(%arg9 : memref<128xi32, #tpu.memory_space<vmem>>) semaphore(%run_scoped3A : memref<!tpu.dma_semaphore, #tpu.memory_space<semaphore_mem>>) {add = true}
          %dma_wait3A_86 = arith.constant 0 : i32
          %dma_wait3A_87 = arith.constant 0 : i32
          %dma_wait3A_88 = tpu.memref_slice %arg16[%dma_wait3A_86, %dma_wait3A_87] : memref<10000x16xf32, #tpu.memory_space<vmem_shared>> -> memref<10000x16xf32, #tpu.memory_space<vmem_shared>>
          tpu.wait_indirect_dma semaphore(%run_scoped3A : memref<!tpu.dma_semaphore, #tpu.memory_space<semaphore_mem>>) src(%arg12 : memref<128x16xf32, #tpu.memory_space<vmem>>) dst(%dma_wait3A_88 : memref<10000x16xf32, #tpu.memory_space<vmem_shared>>)
          tpu.yield
        }) : () -> ()
      } else {
      }
      %while3A_82 = arith.constant 0 : i32
      scf.yield %while3A_82 : i32
    }
    %while3A_32 = arith.constant 1 : i32
    %while3A_33 = scf.for %while3A_40 = %while3A_29 to %while3A_25 step %while3A_32 iter_args(%while3A_41 = %while3A_31) -> (i32)  : i32 {
      %mul3A_42 = arith.constant 16 : i32
      %mul3A_43 = arith.muli %while3A_40, %mul3A_42 : i32
      %add3A = arith.addi %arg1, %mul3A_43 : i32
      %mul3A_44 = arith.constant 128 : i32
      %mul3A_45 = arith.muli %add3A, %mul3A_44 : i32
      "tpu.region"() ({
        %run_scoped3A = tpu.sem_alloc : memref<!tpu.dma_semaphore, #tpu.memory_space<semaphore_mem>>
        %dma_start3A_83 = tpu.memref_slice %arg2[%mul3A_45] : memref<320000xi32, #tpu.memory_space<hbm>> -> memref<128xi32, #tpu.memory_space<hbm>>
        %dma_start3A_84 = tpu.memref_slice %arg2[%mul3A_45] : memref<320000xi32, #tpu.memory_space<hbm>> -> memref<128xi32, #tpu.memory_space<hbm>>
        tpu.enqueue_dma source(%dma_start3A_84 : memref<128xi32, #tpu.memory_space<hbm>>) target(%arg8 : memref<128xi32, #tpu.memory_space<vmem>>) target_semaphore(%run_scoped3A : memref<!tpu.dma_semaphore, #tpu.memory_space<semaphore_mem>>)
        %dma_wait3A_85 = tpu.memref_slice %arg2[%mul3A_45] : memref<320000xi32, #tpu.memory_space<hbm>> -> memref<128xi32, #tpu.memory_space<hbm>>
        %dma_wait3A_86 = tpu.memref_slice %arg2[%mul3A_45] : memref<320000xi32, #tpu.memory_space<hbm>> -> memref<128xi32, #tpu.memory_space<hbm>>
        tpu.wait_dma2 semaphore(%run_scoped3A : memref<!tpu.dma_semaphore, #tpu.memory_space<semaphore_mem>>) src(%dma_wait3A_86 : memref<128xi32, #tpu.memory_space<hbm>>) dst(%arg8 : memref<128xi32, #tpu.memory_space<vmem>>)
        tpu.yield
      }) : () -> ()
      "tpu.region"() ({
        %run_scoped3A = tpu.sem_alloc : memref<!tpu.dma_semaphore, #tpu.memory_space<semaphore_mem>>
        %dma_start3A_83 = tpu.memref_slice %arg3[%mul3A_45] : memref<320000xi32, #tpu.memory_space<hbm>> -> memref<128xi32, #tpu.memory_space<hbm>>
        %dma_start3A_84 = tpu.memref_slice %arg3[%mul3A_45] : memref<320000xi32, #tpu.memory_space<hbm>> -> memref<128xi32, #tpu.memory_space<hbm>>
        tpu.enqueue_dma source(%dma_start3A_84 : memref<128xi32, #tpu.memory_space<hbm>>) target(%arg9 : memref<128xi32, #tpu.memory_space<vmem>>) target_semaphore(%run_scoped3A : memref<!tpu.dma_semaphore, #tpu.memory_space<semaphore_mem>>)
        %dma_wait3A_85 = tpu.memref_slice %arg3[%mul3A_45] : memref<320000xi32, #tpu.memory_space<hbm>> -> memref<128xi32, #tpu.memory_space<hbm>>
        %dma_wait3A_86 = tpu.memref_slice %arg3[%mul3A_45] : memref<320000xi32, #tpu.memory_space<hbm>> -> memref<128xi32, #tpu.memory_space<hbm>>
        tpu.wait_dma2 semaphore(%run_scoped3A : memref<!tpu.dma_semaphore, #tpu.memory_space<semaphore_mem>>) src(%dma_wait3A_86 : memref<128xi32, #tpu.memory_space<hbm>>) dst(%arg9 : memref<128xi32, #tpu.memory_space<vmem>>)
        tpu.yield
      }) : () -> ()
      %dma_start3A = arith.constant 0 : i32
      %dma_start3A_46 = arith.constant 0 : i32
      %dma_start3A_47 = tpu.memref_slice %arg4[%arg0, %dma_start3A, %dma_start3A_46] : memref<2x10000x64xf32, #tpu.memory_space<hbm>> -> memref<1x10000x64xf32, #tpu.memory_space<hbm>>
      %dma_start3A_48 = tpu.memref_squeeze %dma_start3A_47 : memref<1x10000x64xf32, #tpu.memory_space<hbm>> -> memref<10000x64xf32, #tpu.memory_space<hbm>>
      %dma_start3A_49 = arith.constant 0 : i32
      %dma_start3A_50 = arith.constant 0 : i32
      %dma_start3A_51 = tpu.memref_slice %dma_start3A_48[%dma_start3A_49, %dma_start3A_50] : memref<10000x64xf32, #tpu.memory_space<hbm>> -> memref<10000x64xf32, #tpu.memory_space<hbm>>
      tpu.enqueue_indirect_dma source(%dma_start3A_51 : memref<10000x64xf32, #tpu.memory_space<hbm>>) target(%arg10 : memref<128x64xf32, #tpu.memory_space<vmem>>) offsets(%arg9 : memref<128xi32, #tpu.memory_space<vmem>>) semaphore(%arg17 : memref<!tpu.dma_semaphore, #tpu.memory_space<semaphore_mem>>)
      %dma_start3A_52 = arith.constant 0 : i32
      %dma_start3A_53 = arith.constant 0 : i32
      %dma_start3A_54 = tpu.memref_slice %arg5[%arg0, %dma_start3A_52, %dma_start3A_53] : memref<2x10000x64xf32, #tpu.memory_space<hbm>> -> memref<1x10000x64xf32, #tpu.memory_space<hbm>>
      %dma_start3A_55 = tpu.memref_squeeze %dma_start3A_54 : memref<1x10000x64xf32, #tpu.memory_space<hbm>> -> memref<10000x64xf32, #tpu.memory_space<hbm>>
      %dma_start3A_56 = arith.constant 0 : i32
      %dma_start3A_57 = arith.constant 0 : i32
      %dma_start3A_58 = tpu.memref_slice %dma_start3A_55[%dma_start3A_56, %dma_start3A_57] : memref<10000x64xf32, #tpu.memory_space<hbm>> -> memref<10000x64xf32, #tpu.memory_space<hbm>>
      tpu.enqueue_indirect_dma source(%dma_start3A_58 : memref<10000x64xf32, #tpu.memory_space<hbm>>) target(%arg11 : memref<128x64xf32, #tpu.memory_space<vmem>>) offsets(%arg8 : memref<128xi32, #tpu.memory_space<vmem>>) semaphore(%arg18 : memref<!tpu.dma_semaphore, #tpu.memory_space<semaphore_mem>>)
      %dma_wait3A = arith.constant 0 : i32
      %dma_wait3A_59 = arith.constant 0 : i32
      %dma_wait3A_60 = tpu.memref_slice %arg4[%arg0, %dma_wait3A, %dma_wait3A_59] : memref<2x10000x64xf32, #tpu.memory_space<hbm>> -> memref<1x10000x64xf32, #tpu.memory_space<hbm>>
      %dma_wait3A_61 = tpu.memref_squeeze %dma_wait3A_60 : memref<1x10000x64xf32, #tpu.memory_space<hbm>> -> memref<10000x64xf32, #tpu.memory_space<hbm>>
      %dma_wait3A_62 = arith.constant 0 : i32
      %dma_wait3A_63 = arith.constant 0 : i32
      %dma_wait3A_64 = tpu.memref_slice %dma_wait3A_61[%dma_wait3A_62, %dma_wait3A_63] : memref<10000x64xf32, #tpu.memory_space<hbm>> -> memref<10000x64xf32, #tpu.memory_space<hbm>>
      tpu.wait_indirect_dma semaphore(%arg17 : memref<!tpu.dma_semaphore, #tpu.memory_space<semaphore_mem>>) src(%dma_wait3A_64 : memref<10000x64xf32, #tpu.memory_space<hbm>>) dst(%arg10 : memref<128x64xf32, #tpu.memory_space<vmem>>)
      %dma_wait3A_65 = arith.constant 0 : i32
      %dma_wait3A_66 = arith.constant 0 : i32
      %dma_wait3A_67 = tpu.memref_slice %arg5[%arg0, %dma_wait3A_65, %dma_wait3A_66] : memref<2x10000x64xf32, #tpu.memory_space<hbm>> -> memref<1x10000x64xf32, #tpu.memory_space<hbm>>
      %dma_wait3A_68 = tpu.memref_squeeze %dma_wait3A_67 : memref<1x10000x64xf32, #tpu.memory_space<hbm>> -> memref<10000x64xf32, #tpu.memory_space<hbm>>
      %dma_wait3A_69 = arith.constant 0 : i32
      %dma_wait3A_70 = arith.constant 0 : i32
      %dma_wait3A_71 = tpu.memref_slice %dma_wait3A_68[%dma_wait3A_69, %dma_wait3A_70] : memref<10000x64xf32, #tpu.memory_space<hbm>> -> memref<10000x64xf32, #tpu.memory_space<hbm>>
      tpu.wait_indirect_dma semaphore(%arg18 : memref<!tpu.dma_semaphore, #tpu.memory_space<semaphore_mem>>) src(%dma_wait3A_71 : memref<10000x64xf32, #tpu.memory_space<hbm>>) dst(%arg11 : memref<128x64xf32, #tpu.memory_space<vmem>>)
      %scan3A_72 = arith.constant 0 : i32
      %scan3A_73 = arith.constant 0 : i32
      %scan3A_74 = arith.constant 128 : i32
      %scan3A_75 = arith.addi %scan3A_73, %scan3A_74 : i32
      %scan3A_76 = arith.constant 1 : i32
      %scan3A_77 = scf.for %scan3A_83 = %scan3A_73 to %scan3A_75 step %scan3A_76 iter_args(%scan3A_84 = %scan3A_72) -> (i32)  : i32 {
        %get3A = arith.index_cast %scan3A_83 : i32 to index
        %get3A_85 = arith.constant 0 : index
        %get3A_86 = tpu.vector_load %arg10[%get3A, %get3A_85] {strides = array<i32>} : memref<128x64xf32, #tpu.memory_space<vmem>>, vector<1x16xf32>,
        %get3A_87 = vector.shape_cast %get3A_86 : vector<1x16xf32> to vector<16xf32>
        %get3A_88 = arith.index_cast %scan3A_83 : i32 to index
        %get3A_89 = arith.constant 0 : index
        %get3A_90 = tpu.vector_load %arg11[%get3A_88, %get3A_89] {strides = array<i32>} : memref<128x64xf32, #tpu.memory_space<vmem>>, vector<1x16xf32>,
        %get3A_91 = vector.shape_cast %get3A_90 : vector<1x16xf32> to vector<16xf32>
        %add3A_92 = arith.addf %get3A_87, %get3A_91 : vector<16xf32>
        %max3A = arith.constant 0.000000e+00 : f32
        %max3A_93 = vector.broadcast %max3A : f32 to vector<16xf32>
        %max3A_94 = arith.maximumf %add3A_92, %max3A_93 : vector<16xf32>
        %swap3A = arith.index_cast %scan3A_83 : i32 to index
        %swap3A_95 = arith.constant 0 : index
        %swap3A_96 = tpu.vector_load %arg10[%swap3A, %swap3A_95] {strides = array<i32>} : memref<128x64xf32, #tpu.memory_space<vmem>>, vector<1x16xf32>,
        %swap3A_97 = vector.shape_cast %swap3A_96 : vector<1x16xf32> to vector<16xf32>
        %swap3A_98 = vector.shape_cast %max3A_94 : vector<16xf32> to vector<1x16xf32>
        tpu.vector_store %arg10[%swap3A, %swap3A_95], %swap3A_98 {strides = array<i32>} : memref<128x64xf32, #tpu.memory_space<vmem>>, vector<1x16xf32>,
        %get3A_99 = arith.index_cast %scan3A_83 : i32 to index
        %get3A_100 = arith.constant 16 : index
        %get3A_101 = tpu.vector_load %arg10[%get3A_99, %get3A_100] {strides = array<i32>} : memref<128x64xf32, #tpu.memory_space<vmem>>, vector<1x16xf32>,
        %get3A_102 = vector.shape_cast %get3A_101 : vector<1x16xf32> to vector<16xf32>
        %get3A_103 = arith.index_cast %scan3A_83 : i32 to index
        %get3A_104 = arith.constant 16 : index
        %get3A_105 = tpu.vector_load %arg11[%get3A_103, %get3A_104] {strides = array<i32>} : memref<128x64xf32, #tpu.memory_space<vmem>>, vector<1x16xf32>,
        %get3A_106 = vector.shape_cast %get3A_105 : vector<1x16xf32> to vector<16xf32>
        %add3A_107 = arith.addf %get3A_102, %get3A_106 : vector<16xf32>
        %max3A_108 = arith.constant 0.000000e+00 : f32
        %max3A_109 = vector.broadcast %max3A_108 : f32 to vector<16xf32>
        %max3A_110 = arith.maximumf %add3A_107, %max3A_109 : vector<16xf32>
        %swap3A_111 = arith.index_cast %scan3A_83 : i32 to index
        %swap3A_112 = arith.constant 16 : index
        %swap3A_113 = tpu.vector_load %arg10[%swap3A_111, %swap3A_112] {strides = array<i32>} : memref<128x64xf32, #tpu.memory_space<vmem>>, vector<1x16xf32>,
        %swap3A_114 = vector.shape_cast %swap3A_113 : vector<1x16xf32> to vector<16xf32>
        %swap3A_115 = vector.shape_cast %max3A_110 : vector<16xf32> to vector<1x16xf32>
        tpu.vector_store %arg10[%swap3A_111, %swap3A_112], %swap3A_115 {strides = array<i32>} : memref<128x64xf32, #tpu.memory_space<vmem>>, vector<1x16xf32>,
        %get3A_116 = arith.index_cast %scan3A_83 : i32 to index
        %get3A_117 = arith.constant 32 : index
        %get3A_118 = tpu.vector_load %arg10[%get3A_116, %get3A_117] {strides = array<i32>} : memref<128x64xf32, #tpu.memory_space<vmem>>, vector<1x16xf32>,
        %get3A_119 = vector.shape_cast %get3A_118 : vector<1x16xf32> to vector<16xf32>
        %get3A_120 = arith.index_cast %scan3A_83 : i32 to index
        %get3A_121 = arith.constant 32 : index
        %get3A_122 = tpu.vector_load %arg11[%get3A_120, %get3A_121] {strides = array<i32>} : memref<128x64xf32, #tpu.memory_space<vmem>>, vector<1x16xf32>,
        %get3A_123 = vector.shape_cast %get3A_122 : vector<1x16xf32> to vector<16xf32>
        %add3A_124 = arith.addf %get3A_119, %get3A_123 : vector<16xf32>
        %max3A_125 = arith.constant 0.000000e+00 : f32
        %max3A_126 = vector.broadcast %max3A_125 : f32 to vector<16xf32>
        %max3A_127 = arith.maximumf %add3A_124, %max3A_126 : vector<16xf32>
        %swap3A_128 = arith.index_cast %scan3A_83 : i32 to index
        %swap3A_129 = arith.constant 32 : index
        %swap3A_130 = tpu.vector_load %arg10[%swap3A_128, %swap3A_129] {strides = array<i32>} : memref<128x64xf32, #tpu.memory_space<vmem>>, vector<1x16xf32>,
        %swap3A_131 = vector.shape_cast %swap3A_130 : vector<1x16xf32> to vector<16xf32>
        %swap3A_132 = vector.shape_cast %max3A_127 : vector<16xf32> to vector<1x16xf32>
        tpu.vector_store %arg10[%swap3A_128, %swap3A_129], %swap3A_132 {strides = array<i32>} : memref<128x64xf32, #tpu.memory_space<vmem>>, vector<1x16xf32>,
        %get3A_133 = arith.index_cast %scan3A_83 : i32 to index
        %get3A_134 = arith.constant 48 : index
        %get3A_135 = tpu.vector_load %arg10[%get3A_133, %get3A_134] {strides = array<i32>} : memref<128x64xf32, #tpu.memory_space<vmem>>, vector<1x16xf32>,
        %get3A_136 = vector.shape_cast %get3A_135 : vector<1x16xf32> to vector<16xf32>
        %get3A_137 = arith.index_cast %scan3A_83 : i32 to index
        %get3A_138 = arith.constant 48 : index
        %get3A_139 = tpu.vector_load %arg11[%get3A_137, %get3A_138] {strides = array<i32>} : memref<128x64xf32, #tpu.memory_space<vmem>>, vector<1x16xf32>,
        %get3A_140 = vector.shape_cast %get3A_139 : vector<1x16xf32> to vector<16xf32>
        %add3A_141 = arith.addf %get3A_136, %get3A_140 : vector<16xf32>
        %max3A_142 = arith.constant 0.000000e+00 : f32
        %max3A_143 = vector.broadcast %max3A_142 : f32 to vector<16xf32>
        %max3A_144 = arith.maximumf %add3A_141, %max3A_143 : vector<16xf32>
        %swap3A_145 = arith.index_cast %scan3A_83 : i32 to index
        %swap3A_146 = arith.constant 48 : index
        %swap3A_147 = tpu.vector_load %arg10[%swap3A_145, %swap3A_146] {strides = array<i32>} : memref<128x64xf32, #tpu.memory_space<vmem>>, vector<1x16xf32>,
        %swap3A_148 = vector.shape_cast %swap3A_147 : vector<1x16xf32> to vector<16xf32>
        %swap3A_149 = vector.shape_cast %max3A_144 : vector<16xf32> to vector<1x16xf32>
        tpu.vector_store %arg10[%swap3A_145, %swap3A_146], %swap3A_149 {strides = array<i32>} : memref<128x64xf32, #tpu.memory_space<vmem>>, vector<1x16xf32>,
        %scan3A_150 = arith.constant 0 : i32
        scf.yield %scan3A_150 : i32
      }
      %scan3A_78 = arith.constant 128 : i32
      "tpu.region"() ({
        %run_scoped3A = tpu.sem_alloc : memref<!tpu.dma_semaphore, #tpu.memory_space<semaphore_mem>>
        %dma_start3A_83 = arith.constant 0 : i32
        %dma_start3A_84 = arith.constant 0 : i32
        %dma_start3A_85 = tpu.memref_slice %arg15[%dma_start3A_83, %dma_start3A_84] : memref<10000x64xf32, #tpu.memory_space<vmem_shared>> -> memref<10000x64xf32, #tpu.memory_space<vmem_shared>>
        tpu.enqueue_indirect_dma source(%arg10 : memref<128x64xf32, #tpu.memory_space<vmem>>) target(%dma_start3A_85 : memref<10000x64xf32, #tpu.memory_space<vmem_shared>>) offsets(%arg9 : memref<128xi32, #tpu.memory_space<vmem>>) semaphore(%run_scoped3A : memref<!tpu.dma_semaphore, #tpu.memory_space<semaphore_mem>>) {add = true}
        %dma_wait3A_86 = arith.constant 0 : i32
        %dma_wait3A_87 = arith.constant 0 : i32
        %dma_wait3A_88 = tpu.memref_slice %arg15[%dma_wait3A_86, %dma_wait3A_87] : memref<10000x64xf32, #tpu.memory_space<vmem_shared>> -> memref<10000x64xf32, #tpu.memory_space<vmem_shared>>
        tpu.wait_indirect_dma semaphore(%run_scoped3A : memref<!tpu.dma_semaphore, #tpu.memory_space<semaphore_mem>>) src(%arg10 : memref<128x64xf32, #tpu.memory_space<vmem>>) dst(%dma_wait3A_88 : memref<10000x64xf32, #tpu.memory_space<vmem_shared>>)
        tpu.yield
      }) : () -> ()
      %convert_element_type3A_79 = arith.extui %eq3A_22 : i1 to i32
      %cond3A_80 = arith.constant 0 : i32
      %cond3A_81 = arith.cmpi ne, %convert_element_type3A_79, %cond3A_80 : i32
      scf.if %cond3A_81 {
        "tpu.region"() ({
          %run_scoped3A = tpu.sem_alloc : memref<!tpu.dma_semaphore, #tpu.memory_space<semaphore_mem>>
          %dma_start3A_83 = arith.constant 0 : i32
          %dma_start3A_84 = arith.constant 0 : i32
          %dma_start3A_85 = tpu.memref_slice %arg16[%dma_start3A_83, %dma_start3A_84] : memref<10000x16xf32, #tpu.memory_space<vmem_shared>> -> memref<10000x16xf32, #tpu.memory_space<vmem_shared>>
          tpu.enqueue_indirect_dma source(%arg12 : memref<128x16xf32, #tpu.memory_space<vmem>>) target(%dma_start3A_85 : memref<10000x16xf32, #tpu.memory_space<vmem_shared>>) offsets(%arg9 : memref<128xi32, #tpu.memory_space<vmem>>) semaphore(%run_scoped3A : memref<!tpu.dma_semaphore, #tpu.memory_space<semaphore_mem>>) {add = true}
          %dma_wait3A_86 = arith.constant 0 : i32
          %dma_wait3A_87 = arith.constant 0 : i32
          %dma_wait3A_88 = tpu.memref_slice %arg16[%dma_wait3A_86, %dma_wait3A_87] : memref<10000x16xf32, #tpu.memory_space<vmem_shared>> -> memref<10000x16xf32, #tpu.memory_space<vmem_shared>>
          tpu.wait_indirect_dma semaphore(%run_scoped3A : memref<!tpu.dma_semaphore, #tpu.memory_space<semaphore_mem>>) src(%arg12 : memref<128x16xf32, #tpu.memory_space<vmem>>) dst(%dma_wait3A_88 : memref<10000x16xf32, #tpu.memory_space<vmem_shared>>)
          tpu.yield
        }) : () -> ()
      } else {
      }
      %while3A_82 = arith.constant 0 : i32
      scf.yield %while3A_82 : i32
    }
    %barrier3A_34 = arith.constant 0 : index
    tpu.barrier barrier_id(%barrier3A_34)
    %lt3A_35 = arith.constant 10 : i32
    %lt3A_36 = arith.cmpi slt, %arg1, %lt3A_35 : i32
    %convert_element_type3A_37 = arith.extui %lt3A_36 : i1 to i32
    %cond3A_38 = arith.constant 0 : i32
    %cond3A_39 = arith.cmpi ne, %convert_element_type3A_37, %cond3A_38 : i32
    scf.if %cond3A_39 {
      "tpu.region"() ({
        %run_scoped3A = tpu.sem_alloc : memref<!tpu.dma_semaphore, #tpu.memory_space<semaphore_mem>>
        %dma_start3A = arith.constant 0 : i32
        %dma_start3A_43 = tpu.memref_slice %arg6[%arg0, %mul3A_16, %dma_start3A] : memref<2x10000x64xf32, #tpu.memory_space<hbm>> -> memref<1x1000x64xf32, #tpu.memory_space<hbm>>
        %dma_start3A_44 = tpu.memref_squeeze %dma_start3A_43 : memref<1x1000x64xf32, #tpu.memory_space<hbm>> -> memref<1000x64xf32, #tpu.memory_space<hbm>>
        %dma_start3A_45 = arith.constant 0 : i32
        %dma_start3A_46 = tpu.memref_slice %arg15[%mul3A_16, %dma_start3A_45] : memref<10000x64xf32, #tpu.memory_space<vmem_shared>> -> memref<1000x64xf32, #tpu.memory_space<vmem_shared>>
        tpu.enqueue_dma source(%dma_start3A_46 : memref<1000x64xf32, #tpu.memory_space<vmem_shared>>) target(%dma_start3A_44 : memref<1000x64xf32, #tpu.memory_space<hbm>>) target_semaphore(%run_scoped3A : memref<!tpu.dma_semaphore, #tpu.memory_space<semaphore_mem>>)
        %dma_wait3A = arith.constant 0 : i32
        %dma_wait3A_47 = tpu.memref_slice %arg6[%arg0, %mul3A_16, %dma_wait3A] : memref<2x10000x64xf32, #tpu.memory_space<hbm>> -> memref<1x1000x64xf32, #tpu.memory_space<hbm>>
        %dma_wait3A_48 = tpu.memref_squeeze %dma_wait3A_47 : memref<1x1000x64xf32, #tpu.memory_space<hbm>> -> memref<1000x64xf32, #tpu.memory_space<hbm>>
        %dma_wait3A_49 = arith.constant 0 : i32
        %dma_wait3A_50 = tpu.memref_slice %arg15[%mul3A_16, %dma_wait3A_49] : memref<10000x64xf32, #tpu.memory_space<vmem_shared>> -> memref<1000x64xf32, #tpu.memory_space<vmem_shared>>
        tpu.wait_dma2 semaphore(%run_scoped3A : memref<!tpu.dma_semaphore, #tpu.memory_space<semaphore_mem>>) src(%dma_wait3A_50 : memref<1000x64xf32, #tpu.memory_space<vmem_shared>>) dst(%dma_wait3A_48 : memref<1000x64xf32, #tpu.memory_space<hbm>>)
        tpu.yield
      }) : () -> ()
      %convert_element_type3A_40 = arith.extui %eq3A_22 : i1 to i32
      %cond3A_41 = arith.constant 0 : i32
      %cond3A_42 = arith.cmpi ne, %convert_element_type3A_40, %cond3A_41 : i32
      scf.if %cond3A_42 {
        "tpu.region"() ({
          %run_scoped3A = tpu.sem_alloc : memref<!tpu.dma_semaphore, #tpu.memory_space<semaphore_mem>>
          %dma_start3A = arith.constant 0 : i32
          %dma_start3A_43 = tpu.memref_slice %arg7[%mul3A_16, %dma_start3A] : memref<10000x16xf32, #tpu.memory_space<hbm>> -> memref<1000x16xf32, #tpu.memory_space<hbm>>
          %dma_start3A_44 = arith.constant 0 : i32
          %dma_start3A_45 = tpu.memref_slice %arg16[%mul3A_16, %dma_start3A_44] : memref<10000x16xf32, #tpu.memory_space<vmem_shared>> -> memref<1000x16xf32, #tpu.memory_space<vmem_shared>>
          tpu.enqueue_dma source(%dma_start3A_45 : memref<1000x16xf32, #tpu.memory_space<vmem_shared>>) target(%dma_start3A_43 : memref<1000x16xf32, #tpu.memory_space<hbm>>) target_semaphore(%run_scoped3A : memref<!tpu.dma_semaphore, #tpu.memory_space<semaphore_mem>>)
          %dma_wait3A = arith.constant 0 : i32
          %dma_wait3A_46 = tpu.memref_slice %arg7[%mul3A_16, %dma_wait3A] : memref<10000x16xf32, #tpu.memory_space<hbm>> -> memref<1000x16xf32, #tpu.memory_space<hbm>>
          %dma_wait3A_47 = arith.constant 0 : i32
          %dma_wait3A_48 = tpu.memref_slice %arg16[%mul3A_16, %dma_wait3A_47] : memref<10000x16xf32, #tpu.memory_space<vmem_shared>> -> memref<1000x16xf32, #tpu.memory_space<vmem_shared>>
          tpu.wait_dma2 semaphore(%run_scoped3A : memref<!tpu.dma_semaphore, #tpu.memory_space<semaphore_mem>>) src(%dma_wait3A_48 : memref<1000x16xf32, #tpu.memory_space<vmem_shared>>) dst(%dma_wait3A_46 : memref<1000x16xf32, #tpu.memory_space<hbm>>)
          tpu.yield
        }) : () -> ()
      } else {
      }
    } else {
    }
    return
  }
}

module attributes {stable_mosaic.version = 14 : i64} {
  func.func @_pre_body(%arg0: i32, %arg1: memref<1000x128xf32, #tpu.memory_space<vmem>>, %arg2: memref<256x128xf32, #tpu.memory_space<vmem>>, %arg3: memref<1x128xf32, #tpu.memory_space<vmem>>, %arg4: memref<1000x64xf32, #tpu.memory_space<vmem>>, %arg5: memref<1000x64xf32, #tpu.memory_space<vmem>>, %arg6: memref<1000x64xf32, #tpu.memory_space<vmem>>, %arg7: memref<1000x64xf32, #tpu.memory_space<vmem>>) attributes {dimension_semantics = [#tpu.dimension_semantics<arbitrary>], iteration_bounds = array<i64: 10>, scalar_prefetch = 0 : i64, scratch_operands = 0 : i64, tpu.core_type = #tpu.core_type<tc>, window_params = [{transform_indices = @transform_0, window_bounds = array<i64: 1000, 128>}, {pipeline_mode = #tpu.pipeline_mode<synchronous>, transform_indices = @transform_1, window_bounds = array<i64: 256, 128>}, {pipeline_mode = #tpu.pipeline_mode<synchronous>, transform_indices = @transform_2, window_bounds = array<i64: 1, 128>}, {transform_indices = @transform_3, window_bounds = array<i64: 1000, 64>}, {transform_indices = @transform_4, window_bounds = array<i64: 1000, 64>}, {transform_indices = @transform_5, window_bounds = array<i64: 1000, 64>}, {transform_indices = @transform_6, window_bounds = array<i64: 1000, 64>}]} {
    %get3A = arith.constant 0 : index
    %get3A_0 = arith.constant 0 : index
    %get3A_1 = vector.load %arg1[%get3A, %get3A_0] : memref<1000x128xf32, #tpu.memory_space<vmem>>, vector<1000x128xf32>
    %get3A_2 = arith.constant 0 : index
    %get3A_3 = arith.constant 0 : index
    %get3A_4 = vector.load %arg2[%get3A_2, %get3A_3] : memref<256x128xf32, #tpu.memory_space<vmem>>, vector<256x128xf32>
    %slice3A = vector.extract_strided_slice %get3A_4 {offsets = [0, 0], sizes = [128, 128], strides = [1, 1]} : vector<256x128xf32> to vector<128x128xf32>
    %dot_general3A = arith.constant dense<0.000000e+00> : vector<1000x128xf32>
    %dot_general3A_5 = tpu.matmul %get3A_1, %slice3A, %dot_general3A {dimension_numbers = #tpu.dot_dimension_numbers<[1], [0], [0], [1], [0, 0, 1, 1], [], []>, transpose_lhs_hint = false} : vector<1000x128xf32>, vector<128x128xf32>, vector<1000x128xf32> -> vector<1000x128xf32>
    %get3A_6 = arith.constant 0 : index
    %get3A_7 = arith.constant 0 : index
    %get3A_8 = vector.load %arg3[%get3A_6, %get3A_7] : memref<1x128xf32, #tpu.memory_space<vmem>>, vector<1x128xf32>
    %add3A = vector.broadcast %get3A_8 : vector<1x128xf32> to vector<1000x128xf32>
    %add3A_9 = arith.addf %dot_general3A_5, %add3A : vector<1000x128xf32>
    %slice3A_10 = vector.extract_strided_slice %get3A_4 {offsets = [128, 0], sizes = [128, 128], strides = [1, 1]} : vector<256x128xf32> to vector<128x128xf32>
    %dot_general3A_11 = arith.constant dense<0.000000e+00> : vector<1000x128xf32>
    %dot_general3A_12 = tpu.matmul %get3A_1, %slice3A_10, %dot_general3A_11 {dimension_numbers = #tpu.dot_dimension_numbers<[1], [0], [0], [1], [0, 0, 1, 1], [], []>, transpose_lhs_hint = false} : vector<1000x128xf32>, vector<128x128xf32>, vector<1000x128xf32> -> vector<1000x128xf32>
    %slice3A_13 = vector.extract_strided_slice %add3A_9 {offsets = [0, 0], sizes = [1000, 64], strides = [1, 1]} : vector<1000x128xf32> to vector<1000x64xf32>
    %swap3A = arith.constant 0 : index
    %swap3A_14 = arith.constant 0 : index
    %swap3A_15 = vector.load %arg4[%swap3A, %swap3A_14] : memref<1000x64xf32, #tpu.memory_space<vmem>>, vector<1000x64xf32>
    tpu.vector_store %arg4[%swap3A, %swap3A_14], %slice3A_13 {strides = array<i32>} : memref<1000x64xf32, #tpu.memory_space<vmem>>, vector<1000x64xf32>,
    %slice3A_16 = vector.extract_strided_slice %add3A_9 {offsets = [0, 64], sizes = [1000, 64], strides = [1, 1]} : vector<1000x128xf32> to vector<1000x64xf32>
    %swap3A_17 = arith.constant 0 : index
    %swap3A_18 = arith.constant 0 : index
    %swap3A_19 = vector.load %arg5[%swap3A_17, %swap3A_18] : memref<1000x64xf32, #tpu.memory_space<vmem>>, vector<1000x64xf32>
    tpu.vector_store %arg5[%swap3A_17, %swap3A_18], %slice3A_16 {strides = array<i32>} : memref<1000x64xf32, #tpu.memory_space<vmem>>, vector<1000x64xf32>,
    %slice3A_20 = vector.extract_strided_slice %dot_general3A_12 {offsets = [0, 0], sizes = [1000, 64], strides = [1, 1]} : vector<1000x128xf32> to vector<1000x64xf32>
    %swap3A_21 = arith.constant 0 : index
    %swap3A_22 = arith.constant 0 : index
    %swap3A_23 = vector.load %arg6[%swap3A_21, %swap3A_22] : memref<1000x64xf32, #tpu.memory_space<vmem>>, vector<1000x64xf32>
    tpu.vector_store %arg6[%swap3A_21, %swap3A_22], %slice3A_20 {strides = array<i32>} : memref<1000x64xf32, #tpu.memory_space<vmem>>, vector<1000x64xf32>,
    %slice3A_24 = vector.extract_strided_slice %dot_general3A_12 {offsets = [0, 64], sizes = [1000, 64], strides = [1, 1]} : vector<1000x128xf32> to vector<1000x64xf32>
    %swap3A_25 = arith.constant 0 : index
    %swap3A_26 = arith.constant 0 : index
    %swap3A_27 = vector.load %arg7[%swap3A_25, %swap3A_26] : memref<1000x64xf32, #tpu.memory_space<vmem>>, vector<1000x64xf32>
    tpu.vector_store %arg7[%swap3A_25, %swap3A_26], %slice3A_24 {strides = array<i32>} : memref<1000x64xf32, #tpu.memory_space<vmem>>, vector<1000x64xf32>,
    return
  }
  func.func @transform_0(%arg0: i32) -> (i32, i32) {
    %c0_i32 = arith.constant 0 : i32
    %c0_i32_0 = arith.constant 0 : i32
    return %arg0, %c0_i32 : i32, i32
  }
  func.func @transform_1(%arg0: i32) -> (i32, i32) {
    %c0_i32 = arith.constant 0 : i32
    %c0_i32_0 = arith.constant 0 : i32
    %c0_i32_1 = arith.constant 0 : i32
    return %c0_i32, %c0_i32_0 : i32, i32
  }
  func.func @transform_2(%arg0: i32) -> (i32, i32) {
    %c0_i32 = arith.constant 0 : i32
    %c0_i32_0 = arith.constant 0 : i32
    %c0_i32_1 = arith.constant 0 : i32
    return %c0_i32, %c0_i32_0 : i32, i32
  }
  func.func @transform_3(%arg0: i32) -> (i32, i32) {
    %c0_i32 = arith.constant 0 : i32
    %c0_i32_0 = arith.constant 0 : i32
    return %arg0, %c0_i32 : i32, i32
  }
  func.func @transform_4(%arg0: i32) -> (i32, i32) {
    %c0_i32 = arith.constant 0 : i32
    %c0_i32_0 = arith.constant 0 : i32
    return %arg0, %c0_i32 : i32, i32
  }
  func.func @transform_5(%arg0: i32) -> (i32, i32) {
    %c0_i32 = arith.constant 0 : i32
    %c0_i32_0 = arith.constant 0 : i32
    return %arg0, %c0_i32 : i32, i32
  }
  func.func @transform_6(%arg0: i32) -> (i32, i32) {
    %c0_i32 = arith.constant 0 : i32
    %c0_i32_0 = arith.constant 0 : i32
    return %arg0, %c0_i32 : i32, i32
  }
}

module attributes {stable_mosaic.version = 14 : i64} {
  func.func @_post_body(%arg0: i32, %arg1: memref<1000x128xf32, #tpu.memory_space<vmem>>, %arg2: memref<2x1000x64xf32, #tpu.memory_space<vmem>>, %arg3: memref<1000x16xf32, #tpu.memory_space<vmem>>, %arg4: memref<128x128xf32, #tpu.memory_space<vmem>>, %arg5: memref<1x128xf32, #tpu.memory_space<vmem>>, %arg6: memref<256x128xf32, #tpu.memory_space<vmem>>, %arg7: memref<1x128xf32, #tpu.memory_space<vmem>>, %arg8: memref<128x128xf32, #tpu.memory_space<vmem>>, %arg9: memref<1x128xf32, #tpu.memory_space<vmem>>, %arg10: memref<1000x128xf32, #tpu.memory_space<vmem>>) attributes {dimension_semantics = [#tpu.dimension_semantics<arbitrary>], iteration_bounds = array<i64: 10>, scalar_prefetch = 0 : i64, scratch_operands = 0 : i64, tpu.core_type = #tpu.core_type<tc>, window_params = [{transform_indices = @transform_0, window_bounds = array<i64: 1000, 128>}, {transform_indices = @transform_1, window_bounds = array<i64: 2, 1000, 64>}, {transform_indices = @transform_2, window_bounds = array<i64: 1000, 16>}, {pipeline_mode = #tpu.pipeline_mode<synchronous>, transform_indices = @transform_3, window_bounds = array<i64: 128, 128>}, {pipeline_mode = #tpu.pipeline_mode<synchronous>, transform_indices = @transform_4, window_bounds = array<i64: 1, 128>}, {pipeline_mode = #tpu.pipeline_mode<synchronous>, transform_indices = @transform_5, window_bounds = array<i64: 256, 128>}, {pipeline_mode = #tpu.pipeline_mode<synchronous>, transform_indices = @transform_6, window_bounds = array<i64: 1, 128>}, {pipeline_mode = #tpu.pipeline_mode<synchronous>, transform_indices = @transform_7, window_bounds = array<i64: 128, 128>}, {pipeline_mode = #tpu.pipeline_mode<synchronous>, transform_indices = @transform_8, window_bounds = array<i64: 1, 128>}, {transform_indices = @transform_9, window_bounds = array<i64: 1000, 128>}]} {
    %get3A = arith.constant 0 : index
    %get3A_0 = arith.constant 0 : index
    %get3A_1 = vector.load %arg4[%get3A, %get3A_0] : memref<128x128xf32, #tpu.memory_space<vmem>>, vector<128x128xf32>
    %get3A_2 = arith.constant 0 : index
    %get3A_3 = arith.constant 0 : index
    %get3A_4 = vector.load %arg3[%get3A_2, %get3A_3] : memref<1000x16xf32, #tpu.memory_space<vmem>>, vector<1000x1xf32>
    %get3A_5 = arith.constant 0 : index
    %get3A_6 = arith.constant 0 : index
    %get3A_7 = arith.constant 0 : index
    %get3A_8 = vector.load %arg2[%get3A_5, %get3A_6, %get3A_7] : memref<2x1000x64xf32, #tpu.memory_space<vmem>>, vector<1x1000x64xf32>
    %get3A_9 = vector.shape_cast %get3A_8 : vector<1x1000x64xf32> to vector<1000x64xf32>
    %slice3A = vector.extract_strided_slice %get3A_1 {offsets = [0, 0], sizes = [64, 128], strides = [1, 1]} : vector<128x128xf32> to vector<64x128xf32>
    %dot_general3A = arith.constant dense<0.000000e+00> : vector<1000x128xf32>
    %dot_general3A_10 = tpu.matmul %get3A_9, %slice3A, %dot_general3A {dimension_numbers = #tpu.dot_dimension_numbers<[1], [0], [0], [1], [0, 0, 1, 1], [], []>, transpose_lhs_hint = false} : vector<1000x64xf32>, vector<64x128xf32>, vector<1000x128xf32> -> vector<1000x128xf32>
    %get3A_11 = arith.constant 1 : index
    %get3A_12 = arith.constant 0 : index
    %get3A_13 = arith.constant 0 : index
    %get3A_14 = vector.load %arg2[%get3A_11, %get3A_12, %get3A_13] : memref<2x1000x64xf32, #tpu.memory_space<vmem>>, vector<1x1000x64xf32>
    %get3A_15 = vector.shape_cast %get3A_14 : vector<1x1000x64xf32> to vector<1000x64xf32>
    %slice3A_16 = vector.extract_strided_slice %get3A_1 {offsets = [64, 0], sizes = [64, 128], strides = [1, 1]} : vector<128x128xf32> to vector<64x128xf32>
    %dot_general3A_17 = arith.constant dense<0.000000e+00> : vector<1000x128xf32>
    %dot_general3A_18 = tpu.matmul %get3A_15, %slice3A_16, %dot_general3A_17 {dimension_numbers = #tpu.dot_dimension_numbers<[1], [0], [0], [1], [0, 0, 1, 1], [], []>, transpose_lhs_hint = false} : vector<1000x64xf32>, vector<64x128xf32>, vector<1000x128xf32> -> vector<1000x128xf32>
    %add3A = arith.addf %dot_general3A_10, %dot_general3A_18 : vector<1000x128xf32>
    %get3A_19 = arith.constant 0 : index
    %get3A_20 = arith.constant 0 : index
    %get3A_21 = vector.load %arg5[%get3A_19, %get3A_20] : memref<1x128xf32, #tpu.memory_space<vmem>>, vector<1x128xf32>
    %mul3A = vector.broadcast %get3A_4 : vector<1000x1xf32> to vector<1000x128xf32>
    %mul3A_22 = vector.broadcast %get3A_21 : vector<1x128xf32> to vector<1000x128xf32>
    %mul3A_23 = arith.mulf %mul3A, %mul3A_22 : vector<1000x128xf32>
    %add3A_24 = arith.addf %add3A, %mul3A_23 : vector<1000x128xf32>
    %get3A_25 = arith.constant 0 : index
    %get3A_26 = arith.constant 0 : index
    %get3A_27 = vector.load %arg6[%get3A_25, %get3A_26] : memref<256x128xf32, #tpu.memory_space<vmem>>, vector<256x128xf32>
    %get3A_28 = arith.constant 0 : index
    %get3A_29 = arith.constant 0 : index
    %get3A_30 = vector.load %arg1[%get3A_28, %get3A_29] : memref<1000x128xf32, #tpu.memory_space<vmem>>, vector<1000x128xf32>
    %slice3A_31 = vector.extract_strided_slice %get3A_27 {offsets = [0, 0], sizes = [128, 128], strides = [1, 1]} : vector<256x128xf32> to vector<128x128xf32>
    %dot_general3A_32 = arith.constant dense<0.000000e+00> : vector<1000x128xf32>
    %dot_general3A_33 = tpu.matmul %get3A_30, %slice3A_31, %dot_general3A_32 {dimension_numbers = #tpu.dot_dimension_numbers<[1], [0], [0], [1], [0, 0, 1, 1], [], []>, transpose_lhs_hint = false} : vector<1000x128xf32>, vector<128x128xf32>, vector<1000x128xf32> -> vector<1000x128xf32>
    %slice3A_34 = vector.extract_strided_slice %get3A_27 {offsets = [128, 0], sizes = [128, 128], strides = [1, 1]} : vector<256x128xf32> to vector<128x128xf32>
    %dot_general3A_35 = arith.constant dense<0.000000e+00> : vector<1000x128xf32>
    %dot_general3A_36 = tpu.matmul %add3A_24, %slice3A_34, %dot_general3A_35 {dimension_numbers = #tpu.dot_dimension_numbers<[1], [0], [0], [1], [0, 0, 1, 1], [], []>, transpose_lhs_hint = false} : vector<1000x128xf32>, vector<128x128xf32>, vector<1000x128xf32> -> vector<1000x128xf32>
    %add3A_37 = arith.addf %dot_general3A_33, %dot_general3A_36 : vector<1000x128xf32>
    %get3A_38 = arith.constant 0 : index
    %get3A_39 = arith.constant 0 : index
    %get3A_40 = vector.load %arg7[%get3A_38, %get3A_39] : memref<1x128xf32, #tpu.memory_space<vmem>>, vector<1x128xf32>
    %add3A_41 = vector.broadcast %get3A_40 : vector<1x128xf32> to vector<1000x128xf32>
    %add3A_42 = arith.addf %add3A_37, %add3A_41 : vector<1000x128xf32>
    %max3A = arith.constant 0.000000e+00 : f32
    %max3A_43 = vector.broadcast %max3A : f32 to vector<1000x128xf32>
    %max3A_44 = arith.maximumf %add3A_42, %max3A_43 : vector<1000x128xf32>
    %get3A_45 = arith.constant 0 : index
    %get3A_46 = arith.constant 0 : index
    %get3A_47 = vector.load %arg8[%get3A_45, %get3A_46] : memref<128x128xf32, #tpu.memory_space<vmem>>, vector<128x128xf32>
    %dot_general3A_48 = arith.constant dense<0.000000e+00> : vector<1000x128xf32>
    %dot_general3A_49 = tpu.matmul %max3A_44, %get3A_47, %dot_general3A_48 {dimension_numbers = #tpu.dot_dimension_numbers<[1], [0], [0], [1], [0, 0, 1, 1], [], []>, transpose_lhs_hint = false} : vector<1000x128xf32>, vector<128x128xf32>, vector<1000x128xf32> -> vector<1000x128xf32>
    %get3A_50 = arith.constant 0 : index
    %get3A_51 = arith.constant 0 : index
    %get3A_52 = vector.load %arg9[%get3A_50, %get3A_51] : memref<1x128xf32, #tpu.memory_space<vmem>>, vector<1x128xf32>
    %add3A_53 = vector.broadcast %get3A_52 : vector<1x128xf32> to vector<1000x128xf32>
    %add3A_54 = arith.addf %dot_general3A_49, %add3A_53 : vector<1000x128xf32>
    %swap3A = arith.constant 0 : index
    %swap3A_55 = arith.constant 0 : index
    %swap3A_56 = vector.load %arg10[%swap3A, %swap3A_55] : memref<1000x128xf32, #tpu.memory_space<vmem>>, vector<1000x128xf32>
    tpu.vector_store %arg10[%swap3A, %swap3A_55], %add3A_54 {strides = array<i32>} : memref<1000x128xf32, #tpu.memory_space<vmem>>, vector<1000x128xf32>,
    return
  }
  func.func @transform_0(%arg0: i32) -> (i32, i32) {
    %c0_i32 = arith.constant 0 : i32
    %c0_i32_0 = arith.constant 0 : i32
    return %arg0, %c0_i32 : i32, i32
  }
  func.func @transform_1(%arg0: i32) -> (i32, i32, i32) {
    %c0_i32 = arith.constant 0 : i32
    %c0_i32_0 = arith.constant 0 : i32
    %c0_i32_1 = arith.constant 0 : i32
    return %c0_i32, %arg0, %c0_i32_0 : i32, i32, i32
  }
  func.func @transform_2(%arg0: i32) -> (i32, i32) {
    %c0_i32 = arith.constant 0 : i32
    %c0_i32_0 = arith.constant 0 : i32
    return %arg0, %c0_i32 : i32, i32
  }
  func.func @transform_3(%arg0: i32) -> (i32, i32) {
    %c0_i32 = arith.constant 0 : i32
    %c0_i32_0 = arith.constant 0 : i32
    %c0_i32_1 = arith.constant 0 : i32
    return %c0_i32, %c0_i32_0 : i32, i32
  }
  func.func @transform_4(%arg0: i32) -> (i32, i32) {
    %c0_i32 = arith.constant 0 : i32
    %c0_i32_0 = arith.constant 0 : i32
    %c0_i32_1 = arith.constant 0 : i32
    return %c0_i32, %c0_i32_0 : i32, i32
  }
  func.func @transform_5(%arg0: i32) -> (i32, i32) {
    %c0_i32 = arith.constant 0 : i32
    %c0_i32_0 = arith.constant 0 : i32
    %c0_i32_1 = arith.constant 0 : i32
    return %c0_i32, %c0_i32_0 : i32, i32
  }
  func.func @transform_6(%arg0: i32) -> (i32, i32) {
    %c0_i32 = arith.constant 0 : i32
    %c0_i32_0 = arith.constant 0 : i32
    %c0_i32_1 = arith.constant 0 : i32
    return %c0_i32, %c0_i32_0 : i32, i32
  }
  func.func @transform_7(%arg0: i32) -> (i32, i32) {
    %c0_i32 = arith.constant 0 : i32
    %c0_i32_0 = arith.constant 0 : i32
    %c0_i32_1 = arith.constant 0 : i32
    return %c0_i32, %c0_i32_0 : i32, i32
  }
  func.func @transform_8(%arg0: i32) -> (i32, i32) {
    %c0_i32 = arith.constant 0 : i32
    %c0_i32_0 = arith.constant 0 : i32
    %c0_i32_1 = arith.constant 0 : i32
    return %c0_i32, %c0_i32_0 : i32, i32
  }
  func.func @transform_9(%arg0: i32) -> (i32, i32) {
    %c0_i32 = arith.constant 0 : i32
    %c0_i32_0 = arith.constant 0 : i32
    return %arg0, %c0_i32 : i32, i32
  }
}

</mosaic_0001>

<sc_bundles>
// kernel: kernel.5.cloned.1.call-start
scs
__scs_entry_jumppad:
0x0: {  	(pc) =	sbr.rel $0x88, $3  }
0x1: {  	(tag) =	ssettag $0x0;
	lr =	simm.s32 $0x1  }
0x2: {  	[smem:$0x3F97] =	sst lr;
	_ =	strace $0xD0000000  }
0x3: {  	_ = 	snop  }
0x4: {  	_ = 	snop  }
0x5: {  	_ = 	snop  }
0x6: {  	_ = 	snop  }
0x7: {  	_ = 	snop  }
__scs_overlays_trampoline_lowered:
0x8: {  	[smem:$0x3FA6] =	sst s0  }
0x9: {  	[smem:$0x3FA7] =	sst s1  }
0xa: {  	[smem:$0x3FA8] =	sst s2  }
0xb: {  	[smem:$0x3FA9] =	sst s3  }
0xc: {  	[smem:$0x3FAA] =	sst s4  }
0xd: {  	[smem:$0x3FAB] =	sst s5  }
0xe: {  	[smem:$0x3FAC] =	sst s6  }
0xf: {  	[smem:$0x3FAD] =	sst s7  }
0x10: {  	[smem:$0x3FAE] =	sst s8  }
0x11: {  	[smem:$0x3FAF] =	sst s9;
	s0 =	simm.s32 @!p0 $0x0  }
0x12: {  	s1 =	sld [smem:$0x3F95];
	s0 =	simm.s32 @p0 $0x1  }
0x13: {  	[smem:$0x3FB0] =	sst s0;
	s0 =	simm.s32 @!p1 $0x0  }
0x14: {  	s2 =	sld [smem:$0x3F94];
	s0 =	simm.s32 @p1 $0x1  }
0x15: {  	[smem:$0x3FB1] =	sst s0;
	s0 =	simm.s32 @!p2 $0x0  }
0x16: {  	s3 =	sld [smem:$0x3FDB];
	s0 =	simm.s32 @p2 $0x1  }
0x17: {  	s4 =	simm.s32 $0x1BF5;
	[smem:$0x3FB3] =	sst s0  }
0x18: {  	s0 =	sld [smem:$0x3F96];
	_ =	swait.ge [sflag:s4], $0x0  }
0x19: {  	s7 =	sld [smem:$0x3F97]  }
0x1a: {  	s8 =	sadd.s32 $0xFFFFE003, lr  }
0x1b: {  	s9 =	sadd.s32 $0xFFFFFEF7, lr;
	s5 =	simm.s32 $0xFFFFFFFF;
	p2 =	slt.u32 s8, $0xFFFFF086  }
0x1c: {  	p1 =	slt.u32 s9, $0xF7A;
	s5 =	simm.s32 @!p2 $0x0  }
0x1d: {  	s5 =	simm.s32 @p1 $0x1;
	p0 =	seq.s32 s7, s2  }
0x1e: {  	s7 =	smul.u32 @!p0 $0xF7A, s2;
	p2 =	seq.s32 @!p0 s5, $0x0  }
0x1f: {  	s9 =	smul.u32 $0xF7A, s1;
	s8 =	simm.s32 @!p0 $0x1BF5;
	p2 =	por !p2, p0  }
0x20: {  	[sflag:s8] =	ssyncset.s32 @!p0 $0xFFFFF086;
	s6 =	sadd.s32 @!p0 s3, s7;
	s7 =	simm.s32 @!p0 $0x108  }
0x21: {  	s3 =	sadd.s32 s3, s9;
	s6 =	sadd.s32 @!p0 $0x88, s6;
	s7 =	simm.s32 @p2 $0x1082  }
0x22: {  	[simem:s7], [sflag:s8] =	dma.local @!p0 [hbm:s6], $0xF7A  }
0x23: {  	s9 =	sor.u32 $0xD0000000, s2;
	s6 =	simm.s32 $0x108;
	_ =	swait.ge @!p0 [sflag:s8], $0x0  }
0x24: {  	s3 =	sadd.s32 $0x88, s3;
	s6 =	simm.s32 @!p1 $0x1082;
	[sflag:s4] =	ssyncset.s32 $0xFFFFF086  }
0x25: {  	[simem:s6], [sflag:s4] =	dma.local [hbm:s3], $0xF7A  }
0x26: {  	[smem:$0x3F97] =	sst s1;
	(tag) =	ssettag s2;
	_ =	strace s9  }
0x27: {  	s1 =	sld [smem:$0x3FA7]  }
0x28: {  	s2 =	sld [smem:$0x3FA8]  }
0x29: {  	s4 =	sld [smem:$0x3FAA]  }
0x2a: {  	p0 =	seq.s32 s5, $0x0;
	s5 =	sld [smem:$0x3FAB]  }
0x2b: {  	s6 =	sld [smem:$0x3FAC]  }
0x2c: {  	s7 =	sld [smem:$0x3FAD]  }
0x2d: {  	s3 =	simm.s32 $0x108;
	s8 =	sld [smem:$0x3FAE]  }
0x2e: {  	s3 =	simm.s32 @!p0 $0x1082;
	s9 =	sld [smem:$0x3FAF]  }
0x2f: {  	lr =	sadd.s32 s0, s3;
	s0 =	sld [smem:$0x3FA6]  }
0x30: {  	s3 =	sld [smem:$0x3FA9]  }
0x31: {  	[smem:$0x3FB2] =	sst s10  }
0x32: {  	s10 =	sld [smem:$0x3FB0];
	_ =	sdelay $0x3  }
0x33: {  	p0 =	seq.s32 s10, $0x1;
	s10 =	sld [smem:$0x3FB2];
	_ =	sdelay $0x3  }
0x34: {  	[smem:$0x3FB2] =	sst s10  }
0x35: {  	s10 =	sld [smem:$0x3FB1];
	_ =	sdelay $0x3  }
0x36: {  	p1 =	seq.s32 s10, $0x1;
	s10 =	sld [smem:$0x3FB2];
	_ =	sdelay $0x3  }
0x37: {  	[smem:$0x3FB2] =	sst s10  }
0x38: {  	s10 =	sld [smem:$0x3FB3]  }
0x39: {  	_ = 	snop;
	(pc) =	sbr.ind lr, $3  }
0x3a: {  	_ = 	snop  }
0x3b: {  	_ = 	snop  }
0x3c: {  	p2 =	seq.s32 s10, $0x1;
	s10 =	sld [smem:$0x3FB2]  }
0x3d: {  	_ =	shalt  }
0x3e: {  	_ =	shalt  }
0x3f: {  	_ =	shalt  }
0x40: {  	_ =	shalt  }
0x41: {  	_ =	shalt  }
0x42: {  	_ =	shalt  }
0x43: {  	_ =	shalt  }
0x44: {  	_ =	shalt  }
0x45: {  	_ =	shalt  }
0x46: {  	_ =	shalt  }
0x47: {  	_ =	shalt  }
0x48: {  	_ =	shalt  }
0x49: {  	_ =	shalt  }
0x4a: {  	_ =	shalt  }
0x4b: {  	_ =	shalt  }
0x4c: {  	_ =	shalt  }
0x4d: {  	_ =	shalt  }
0x4e: {  	_ =	shalt  }
0x4f: {  	_ =	shalt  }
0x50: {  	_ =	shalt  }
0x51: {  	_ =	shalt  }
0x52: {  	_ =	shalt  }
0x53: {  	_ =	shalt  }
0x54: {  	_ =	shalt  }
0x55: {  	_ =	shalt  }
0x56: {  	_ =	shalt  }
0x57: {  	_ =	shalt  }
0x58: {  	_ =	shalt  }
0x59: {  	_ =	shalt  }
0x5a: {  	_ =	shalt  }
0x5b: {  	_ =	shalt  }
0x5c: {  	_ =	shalt  }
0x5d: {  	_ =	shalt  }
0x5e: {  	_ =	shalt  }
0x5f: {  	_ =	shalt  }
0x60: {  	_ =	shalt  }
0x61: {  	_ =	shalt  }
0x62: {  	_ =	shalt  }
0x63: {  	_ =	shalt  }
0x64: {  	_ =	shalt  }
0x65: {  	_ =	shalt  }
0x66: {  	_ =	shalt  }
0x67: {  	_ =	shalt  }
0x68: {  	_ =	shalt  }
0x69: {  	_ =	shalt  }
0x6a: {  	_ =	shalt  }
0x6b: {  	_ =	shalt  }
0x6c: {  	_ =	shalt  }
0x6d: {  	_ =	shalt  }
0x6e: {  	_ =	shalt  }
0x6f: {  	_ =	shalt  }
0x70: {  	_ =	shalt  }
0x71: {  	_ =	shalt  }
0x72: {  	_ =	shalt  }
0x73: {  	_ =	shalt  }
0x74: {  	_ =	shalt  }
0x75: {  	_ =	shalt  }
0x76: {  	_ =	shalt  }
0x77: {  	_ =	shalt  }
0x78: {  	_ =	shalt  }
0x79: {  	_ =	shalt  }
0x7a: {  	_ =	shalt  }
0x7b: {  	_ =	shalt  }
0x7c: {  	_ =	shalt  }
0x7d: {  	_ =	shalt  }
0x7e: {  	_ =	shalt  }
0x7f: {  	_ =	shalt  }
0x80: {  	_ =	shalt  }
0x81: {  	_ =	shalt  }
0x82: {  	_ =	shalt  }
0x83: {  	_ =	shalt  }
0x84: {  	_ =	shalt  }
0x85: {  	_ =	shalt  }
0x86: {  	_ =	shalt  }
0x87: {  	_ =	shalt  }
.Lfunc_end0:
.L_simem_size_0:
called_computation_lowered:
.L_overlay_start_0:
0x88: {  	s2 =	sld [smem:$0x3FD9]  }
0x89: {  	s3 =	sld [smem:$0x3FFE];
	_ =	sdelay $0x1  }
0x8a: {  	s1 =	srdreg.scid  }
0x8b: {  	s0 =	sand.u32 $0x1, s1  }
0x8c: {  	s17 =	sshll.u32 s0, $0xA;
	s2 =	sadd.s32 s3, s2  }
0x8d: {  	s2 =	sadd.s32 s2, s17  }
0x8e: {  	[smem:$0x3FBE] =	sst s2  }
0x8f: {  	_ = 	snop  }
0x90: {  	s2 =	sld [smem:$0x3FD0];
	(tm) =	ssettm $0x1  }
0x91: {  	s18 =	sld [smem:$0x3FFB];
	_ =	sdelay $0x3  }
0x92: {  	_ =	strace s18  }
0x93: {  	s3 =	sld [smem:$0x3FFC];
	_ =	sdelay $0x3  }
0x94: {  	_ =	strace s3  }
0x95: {  	s3 =	sld [smem:$0x3FFD];
	_ =	sdelay $0x3  }
0x96: {  	_ =	strace s3  }
0x97: {  	_ =	strace $0x8FFFFFFF  }
0x98: {  	s19 =	sld [smem:$0x3FDB];
	_ =	sdelay $0x1  }
0x99: {  	s4 =	simm.s32 $_scs_section_size  }
0x9a: {  	s5 =	simm.s32 $_size__tile_overlayer_lowered;
	s6 =	simm.s32 $_tile_overlayer_lowered  }
0x9b: {  	s22 =	simm.s32 $0x1BFF;
	s21 =	sshll.u32 s6, $0x1;
	s3 =	sadd.s32 s4, s19  }
0x9c: {  	s7 =	simm.s32 $0x0;
	s20 =	sshll.u32 s5, $0x1;
	s5 =	sadd.s32 s21, s3  }
0x9d: {  	[timem:s7], [sflag:s22] =	dma.local [hbm:s5], s20  }
0x9e: {  	_ =	swait.ge [sflag:s22], s20  }
0x9f: {  	s4 =	ssub.s32 $0x0, s20;
	[sflag:s22] =	ssyncset.done $0x0  }
0xa0: {  	[sflag:s22] =	ssyncadd.s32 s4;
	_ =	sdelay $0x1  }
0xa1: {  	s23 =	simm.s32 $0x1B8B  }
0xa2: {  	_ =	swait.ge [sflag:s23], $0x1  }
0xa3: {  	[sflag:s23] =	ssyncset.done $0x0  }
0xa4: {  	s25 =	simm.s32 $0x1B8E;
	s24 =	sld [smem:$0x3FFE];
	[sflag:s23] =	ssyncadd.s32 $0xFFFFFFFF  }
0xa5: {  	s26 =	simm.s32 $execute0_lowered;
	[smem:$0x3FD2] =	sst s25  }
0xa6: {  	s5 =	sshll.u32 s26, $0x1;
	_ =	strace $0x80000046;
	[dreg:$0x1] =	wrdreg $0xFFFFFFFF  }
0xa7: {  	s28 =	simm.s32 $_size_execute0_lowered;
	s3 =	sadd.s32 s3, s5;
	[dreg:$0x0] =	wrdreg $0x0  }
0xa8: {  	s5 =	sshll.u32 s28, $0x1;
	[dreg:$0x2] =	wrdreg s3  }
0xa9: {  	[dreg:$0x3] =	wrdreg s5  }
0xaa: {  	[dreg:$0x4] =	wrdreg $0xC0  }
0xab: {  	_ =	task [dreg:s7], $0x5FFFF  }
0xac: {  	[dreg:$0x1] =	wrdreg $0xFFFFFFFF  }
0xad: {  	[dreg:$0x0] =	wrdreg $0x60  }
0xae: {  	[dreg:$0x2] =	wrdreg s24  }
0xaf: {  	[dreg:$0x3] =	wrdreg s2  }
0xb0: {  	[dreg:$0x4] =	wrdreg $0x70100  }
0xb1: {  	[dreg:$0x5] =	wrdreg $0x10C500  }
0xb2: {  	[dreg:$0x6] =	wrdreg $0x9  }
0xb3: {  	_ =	task.clear_ibuf [dreg:s7], $0x7FFFF;
	_ =	strace $0x90000046  }
0xb4: {  	s29 =	simm.s32 $0x9;
	_ =	strace $0x80000048  }
0xb5: {  	_ =	swait.ge [sflag:s29], $0x1  }
0xb6: {  	[sflag:s29] =	ssyncadd.s32 $0xFFFFFFFF  }
0xb7: {  	_ =	strace $0x90000048  }
0xb8: {  	_ =	sfence  }
0xb9: {  	s30 =	sld [smem:$0x0];
	_ =	sdelay $0x2  }
0xba: {  	s31 =	sshll.u32 s1, $0xD;
	s1 =	sshrl.u32 s1, $0x2  }
0xbb: {  	s3 =	sand.u32 $0x4000, s31;
	s1 =	sadd.s32 s1, s30  }
0xbc: {  	s0 =	sor.u32 s3, s0;
	s1 =	sshll.u32 s1, $0x11  }
0xbd: {  	s0 =	sor.u32 s1, s0  }
0xbe: {  	s0 =	sadd.s32 $0x8F2B, s0  }
0xbf: {  	[sflag:s0] =	ssyncadd.remote.s32 $0x1  }
0xc0: {  	_ =	sfence.sel $0xFFFF  }
0xc1: {  	[dreg:$0x0] =	wrdreg $0xFFFFFFFF;
	(pc) =	sbr.abs _section_cstart, $3  }
0xc2: {  	[dreg:$0x1] =	wrdreg $0xFFFFFFFF  }
0xc3: {  	_ =	task.clear_ibuf [dreg:s7], $0x2FFFF;
	_ =	strace $0x9FFFFFFF  }
0xc4: {  	(tm) =	ssettm $0x7FFFFFFF  }
0xc5: {  	_ =	shalt  }
tec
execute0_lowered:
.L_overlay_start_1:
0x0: {  	(tag) =	ssettag $0x1  }
0x1: {  	s0 =	srdreg.scid;
	s18 =	stileid.u32  }
0x2: {  	s1 =	rddreg [dreg:$0x0];
	s8 =	sand.u32 $0x1, s0;
	s0 =	smul.u32 $0xFA00, s18  }
0x3: {  	s7 =	rddreg [dreg:$0x1];
	s11 =	smul.u32 $0x3E80, s18  }
0x4: {  	s2 =	rddreg [dreg:$0x2];
	s15 =	smul.u32 $0x3E800, s18  }
0x5: {  	s3 =	rddreg [dreg:$0x3];
	s4 =	simm.s32 $0x0;
	s17 =	smul.u32 $0x3E8, s18  }
0x6: {  	[smem:$0x7FF] =	sst s4;
	s5 =	smul.u32 $0x9C400, s8  }
0x7: {  	p0 =	slt.u32 s18, $0x4;
	_ =	strace $0x80000047;
	s9 =	smul.u32 $0x13880, s8  }
0x8: {  	s14 =	ssub.s32 $0x2, s8;
	p1 =	sne.s32 s8, $0x0;
	s13 =	sshrl.u32 s11, $0x3  }
0x9: {  	s24 =	sshrl.u32 s14, $0x1;
	s25 =	sshrl.u32 s15, $0x2;
	s26 =	sshrl.u32 s0, $0x2  }
0xa: {  	s19 =	sadd.s32 $0x7D, s17;
	s23 =	sadd.s32 $0x177, s17;
	s6 =	sadd.s32 s0, s5  }
0xb: {  	s5 =	sadd.s32 $0x32E00, s1;
	s12 =	sadd.s32 s9, s1;
	s16 =	sadd.s32 s26, s3  }
0xc: {  	s20 =	sshll.u32 s19, $0x6;
	s26 =	sadd.s32 $0x1F4, s17;
	s0 =	sadd.s32 s0, s2  }
0xd: {  	s10 =	sshrl.u32 s6, $0x3;
	s6 =	sadd.s32 $0x29000, s1;
	[dreg:$0x6] =	wrdreg s16  }
0xe: {  	s16 =	sadd.s32 $0xFA, s17;
	s15 =	sadd.s32 s20, s2;
	s20 =	sadd.s32 $0x271, s17  }
0xf: {  	s10 =	sadd.s32 s10, s1;
	s1 =	sadd.s32 s13, s1;
	s13 =	ssub.s32 s14, s24  }
0x10: {  	s14 =	sadd.s32 s25, s2;
	[dreg:$0x7] =	wrdreg s15;
	s21 =	sshll.u32 s16, $0x6  }
0x11: {  	s22 =	sshll.u32 s16, $0x4;
	s24 =	sshll.u32 s23, $0x6;
	s15 =	sshll.u32 s23, $0x4  }
0x12: {  	s16 =	simm.s32 $0x9D;
	[dreg:$0x5] =	wrdreg s14;
	s14 =	sshll.u32 s19, $0x4  }
0x13: {  	s25 =	sadd.s32 s15, s3;
	s15 =	sadd.s32 s7, s9;
	s16 =	simm.s32 @!p0 $0x9C  }
0x14: {  	p0 =	sgt.u32 s18, $0x9;
	s9 =	sshll.u32 s26, $0x6;
	s28 =	sadd.s32 $0x63E00, s1  }
0x15: {  	s1 =	sadd.s32 s11, s3;
	s29 =	smax.u32 s13, $0x1;
	s11 =	simm.s32 $0x80  }
0x16: {  	s13 =	simm.s32 $0x2100;
	s14 =	sadd.s32 s14, s3;
	[dreg:$0xc] =	wrdreg s25  }
0x17: {  	p2 =	sne.s32 @!p0 s8, $0x0;
	s7 =	sadd.s32 s9, s2;
	s25 =	sadd.s32 $0x36B, s17  }
0x18: {  	s30 =	sshrl.u32 @!p0 s0, $0x3;
	s9 =	simm.s32 $0x6840;
	[dreg:$0x8] =	wrdreg s14  }
0x19: {  	s14 =	sadd.s32 s21, s2;
	[dreg:$0xd] =	wrdreg s7;
	s21 =	sshll.u32 s20, $0x6  }
0x1a: {  	s7 =	sshll.u32 s20, $0x4;
	p2 =	por p2, p0;
	[dreg:$0x9] =	wrdreg s14  }
0x1b: {  	s14 =	sadd.s32 s22, s3;
	s22 =	sadd.s32 $0x2EE, s17;
	s8 =	sadd.s32 s21, s2  }
0x1c: {  	s7 =	sadd.s32 s7, s3;
	s31 =	sshrl.u32 @!p2 s1, $0x3;
	[dreg:$0xa] =	wrdreg s14  }
0x1d: {  	s1 =	sshll.u32 s18, $0x7;
	s17 =	simm.s32 $0x2;
	[dreg:$0xf] =	wrdreg s8  }
0x1e: {  	s14 =	sadd.s32 s24, s2;
	[dreg:$0x10] =	wrdreg s7;
	s23 =	sshll.u32 s22, $0x6  }
0x1f: {  	s24 =	sshll.u32 s22, $0x4;
	s8 =	sshll.u32 s25, $0x4;
	s22 =	stileid.u32  }
0x20: {  	[dreg:$0xb] =	wrdreg s14;
	s14 =	sshll.u32 s26, $0x4;
	s7 =	sadd.s32 s23, s2  }
0x21: {  	s26 =	sshll.u32 s25, $0x6;
	s25 =	sadd.s32 $0x1E00, s12;
	s12 =	simm.s32 $0x100  }
0x22: {  	s19 =	sadd.s32 s14, s3;
	[dreg:$0x11] =	wrdreg s7;
	s7 =	sadd.s32 s24, s3  }
0x23: {  	s23 =	sadd.s32 s26, s2;
	s24 =	sadd.s32 s8, s3;
	s26 =	sadd.s32 $0x3CC00, s10  }
0x24: {  	s8 =	simm.s32 $0x3;
	s10 =	simm.s32 $0x4;
	[dreg:$0xe] =	wrdreg s19  }
0x25: {  	v0 =	vimm.f32 $0.0e+00;
	v1 =	vimm.f32 $1.000000000e+00;
	s14 =	simm.s32 $0x1;
	[dreg:$0x12] =	wrdreg s7;
	s7 =	simm.s32 $0x4900  }
.LBB2_1:
0x26: {  	s0 =	simm.s32 $0x4920;
	s18 =	simm.s32 $0x0  }
.LBB2_2:
0x27: {  	p3 =	sne.s32 s18, $0x1F00  }
.Ltmp0:
0x28: {  	[tilespmem:s0+$0xFFFFFFE0] =	vst v0;
	(pc) =	sbr.rel @p3 .LBB2_2-.Ltmp0, $4  }
0x29: {  	[tilespmem:s0+$0xFFFFFFF0] =	vst v0  }
0x2a: {  	[tilespmem:s0+$0x0] =	vst v0  }
0x2b: {  	[tilespmem:s0+$0x10] =	vst v0;
	s19 =	sshra.s32 s18, $0x2  }
0x2c: {  	s0 =	sadd.s32 $0x40, s0;
	s18 =	sadd.s32 $0x40, s18;
	[tilespmem:s19+$0x6840] =	vst v0  }
0x2d: {  	s0 =	simm.s32 $0x40;
	s18 =	simm.s32 $0x0  }
.LBB2_4:
0x2e: {  	p3 =	sne.s32 s0, $0x1FC0;
	[tilespmem:s18+$0x4100] =	vst v1;
	s18 =	smov.u32 s0;
	s0 =	sadd.s32 $0x40, s0  }
.Ltmp1:
0x2f: {  	(pc) =	sbr.rel @p3 .LBB2_4-.Ltmp1, $2  }
0x30: {  	_ =	sdelay $0x2  }
0x31: {  	s18 =	sshra.s32 s18, $0x2  }
.Ltmp2:
0x32: {  	(pc) =	sbr.rel @p0 .LBB2_7-.Ltmp2, $2  }
0x33: {  	_ =	sdelay $0x2  }
0x34: {  	[tilespmem:s18+$0x4100] =	vst v1  }
0x35: {  	s0 =	rddreg [dreg:$0x5]  }
0x36: {  	[spmem:s0] =	stream.linear.scatter [tilespmem:s7], [sflag:$0x3], $0x1F40, $0x38;
	[tilespmem:$0x13360] =	vst v63  }
0x37: {  	_ =	swait.ge [sflag:s8], $0x1F40  }
0x38: {  	[sflag:s8] =	ssyncset.done $0x0  }
0x39: {  	s21 =	rddreg [dreg:$0x6];
	[sflag:s8] =	ssyncadd.s32 $0xFFFFE0C0  }
0x3a: {  	[spmem:s21] =	stream.linear.scatter [tilespmem:s9], [sflag:$0x3], $0x7D0, $0x38;
	[tilespmem:$0x13360] =	vst v63  }
0x3b: {  	_ =	swait.ge [sflag:s8], $0x7D0  }
0x3c: {  	[sflag:s8] =	ssyncset.done $0x0  }
0x3d: {  	s18 =	rddreg [dreg:$0x7];
	[sflag:s8] =	ssyncadd.s32 $0xFFFFF830  }
0x3e: {  	[spmem:s18] =	stream.linear.scatter [tilespmem:s7], [sflag:$0x3], $0x1F40, $0x38;
	[tilespmem:$0x13360] =	vst v63  }
0x3f: {  	_ =	swait.ge [sflag:s8], $0x1F40  }
0x40: {  	[sflag:s8] =	ssyncset.done $0x0  }
0x41: {  	s19 =	rddreg [dreg:$0x8];
	[sflag:s8] =	ssyncadd.s32 $0xFFFFE0C0  }
0x42: {  	[spmem:s19] =	stream.linear.scatter [tilespmem:s9], [sflag:$0x3], $0x7D0, $0x38;
	[tilespmem:$0x13360] =	vst v63  }
0x43: {  	_ =	swait.ge [sflag:s8], $0x7D0  }
0x44: {  	[sflag:s8] =	ssyncset.done $0x0  }
0x45: {  	s20 =	rddreg [dreg:$0x9];
	[sflag:s8] =	ssyncadd.s32 $0xFFFFF830  }
0x46: {  	[spmem:s20] =	stream.linear.scatter [tilespmem:s7], [sflag:$0x3], $0x1F40, $0x38;
	[tilespmem:$0x13360] =	vst v63  }
0x47: {  	_ =	swait.ge [sflag:s8], $0x1F40  }
0x48: {  	[sflag:s8] =	ssyncset.done $0x0  }
0x49: {  	s21 =	rddreg [dreg:$0xa];
	[sflag:s8] =	ssyncadd.s32 $0xFFFFE0C0  }
0x4a: {  	[spmem:s21] =	stream.linear.scatter [tilespmem:s9], [sflag:$0x3], $0x7D0, $0x38;
	[tilespmem:$0x13360] =	vst v63  }
0x4b: {  	_ =	swait.ge [sflag:s8], $0x7D0  }
0x4c: {  	[sflag:s8] =	ssyncset.done $0x0  }
0x4d: {  	s18 =	rddreg [dreg:$0xb];
	[sflag:s8] =	ssyncadd.s32 $0xFFFFF830  }
0x4e: {  	[spmem:s18] =	stream.linear.scatter [tilespmem:s7], [sflag:$0x3], $0x1F40, $0x38;
	[tilespmem:$0x13360] =	vst v63  }
0x4f: {  	_ =	swait.ge [sflag:s8], $0x1F40  }
0x50: {  	[sflag:s8] =	ssyncset.done $0x0  }
0x51: {  	s19 =	rddreg [dreg:$0xc];
	[sflag:s8] =	ssyncadd.s32 $0xFFFFE0C0  }
0x52: {  	[spmem:s19] =	stream.linear.scatter [tilespmem:s9], [sflag:$0x3], $0x7D0, $0x38;
	[tilespmem:$0x13360] =	vst v63  }
0x53: {  	_ =	swait.ge [sflag:s8], $0x7D0  }
0x54: {  	[sflag:s8] =	ssyncset.done $0x0  }
0x55: {  	s20 =	rddreg [dreg:$0xd];
	[sflag:s8] =	ssyncadd.s32 $0xFFFFF830  }
0x56: {  	[spmem:s20] =	stream.linear.scatter [tilespmem:s7], [sflag:$0x3], $0x1F40, $0x38;
	[tilespmem:$0x13360] =	vst v63  }
0x57: {  	_ =	swait.ge [sflag:s8], $0x1F40  }
0x58: {  	[sflag:s8] =	ssyncset.done $0x0  }
0x59: {  	s21 =	rddreg [dreg:$0xe];
	[sflag:s8] =	ssyncadd.s32 $0xFFFFE0C0  }
0x5a: {  	[spmem:s21] =	stream.linear.scatter [tilespmem:s9], [sflag:$0x3], $0x7D0, $0x38;
	[tilespmem:$0x13360] =	vst v63  }
0x5b: {  	_ =	swait.ge [sflag:s8], $0x7D0  }
0x5c: {  	[sflag:s8] =	ssyncset.done $0x0  }
0x5d: {  	s18 =	rddreg [dreg:$0xf];
	[sflag:s8] =	ssyncadd.s32 $0xFFFFF830  }
0x5e: {  	[spmem:s18] =	stream.linear.scatter [tilespmem:s7], [sflag:$0x3], $0x1F40, $0x38;
	[tilespmem:$0x13360] =	vst v63  }
0x5f: {  	_ =	swait.ge [sflag:s8], $0x1F40  }
0x60: {  	[sflag:s8] =	ssyncset.done $0x0  }
0x61: {  	s19 =	rddreg [dreg:$0x10];
	[sflag:s8] =	ssyncadd.s32 $0xFFFFE0C0  }
0x62: {  	[spmem:s19] =	stream.linear.scatter [tilespmem:s9], [sflag:$0x3], $0x7D0, $0x38;
	[tilespmem:$0x13360] =	vst v63  }
0x63: {  	_ =	swait.ge [sflag:s8], $0x7D0  }
0x64: {  	[sflag:s8] =	ssyncset.done $0x0  }
0x65: {  	s20 =	rddreg [dreg:$0x11];
	[sflag:s8] =	ssyncadd.s32 $0xFFFFF830  }
0x66: {  	[spmem:s20] =	stream.linear.scatter [tilespmem:s7], [sflag:$0x3], $0x1F40, $0x38;
	[tilespmem:$0x13360] =	vst v63  }
0x67: {  	_ =	swait.ge [sflag:s8], $0x1F40  }
0x68: {  	[sflag:s8] =	ssyncset.done $0x0  }
0x69: {  	s21 =	rddreg [dreg:$0x12];
	[sflag:s8] =	ssyncadd.s32 $0xFFFFE0C0  }
0x6a: {  	[spmem:s21] =	stream.linear.scatter [tilespmem:s9], [sflag:$0x3], $0x7D0, $0x38;
	[tilespmem:$0x13360] =	vst v63  }
0x6b: {  	_ =	swait.ge [sflag:s8], $0x7D0  }
0x6c: {  	[sflag:s8] =	ssyncset.done $0x0  }
0x6d: {  	[sflag:s8] =	ssyncadd.s32 $0xFFFFF830  }
0x6e: {  	[spmem:s23] =	stream.linear.scatter [tilespmem:s7], [sflag:$0x3], $0x1F40, $0x38;
	[tilespmem:$0x13360] =	vst v63  }
0x6f: {  	_ =	swait.ge [sflag:s8], $0x1F40  }
0x70: {  	[sflag:s8] =	ssyncset.done $0x0  }
0x71: {  	[sflag:s8] =	ssyncadd.s32 $0xFFFFE0C0  }
0x72: {  	[spmem:s24] =	stream.linear.scatter [tilespmem:s9], [sflag:$0x3], $0x7D0, $0x38;
	[tilespmem:$0x13360] =	vst v63  }
0x73: {  	_ =	swait.ge [sflag:s8], $0x7D0  }
0x74: {  	[sflag:s8] =	ssyncset.done $0x0  }
0x75: {  	[sflag:s8] =	ssyncadd.s32 $0xFFFFF830  }
.LBB2_7:
0x76: {  	[bflag:$0x0] =	sbarrier.arrive $0xFFFF;
	s0 =	simm.s32 $0x0;
	s18 =	simm.s32 $0x0  }
.LBB2_8:
0x77: {  	s19 =	sshll.u32 s18, $0xB  }
0x78: {  	s19 =	sor.u32 s1, s19  }
0x79: {  	s19 =	sshrl.u32 s19, $0x3  }
0x7a: {  	s20 =	sadd.s32 s5, s19  }
0x7b: {  	[tilespmem:s0], [sflag:$0x4] =	stream.linear.gather [hbm4b:s20+s0], $0x80, $0x38;
	[tilespmem:$0x13360] =	vst v63  }
0x7c: {  	_ =	swait.ge [sflag:s10], $0x80  }
0x7d: {  	[sflag:s10] =	ssyncset.done $0x0  }
0x7e: {  	s19 =	sadd.s32 s6, s19;
	[sflag:s10] =	ssyncadd.s32 $0xFFFFFF80  }
0x7f: {  	[tilespmem:s11], [sflag:$0x4] =	stream.linear.gather [hbm4b:s19+s0], $0x80, $0x38;
	[tilespmem:$0x13360] =	vst v63  }
0x80: {  	_ =	swait.ge [sflag:s10], $0x80  }
0x81: {  	[sflag:s10] =	ssyncset.done $0x0  }
0x82: {  	[sflag:s10] =	ssyncadd.s32 $0xFFFFFF80  }
0x83: {  	[tilespmem:s12], [sflag:$0x1] =	stream.indirect.gather [hbm4b:s15+s11], $0x40, s11, s11, $0xb8;
	[tilespmem:$0x13360] =	vst v63  }
0x84: {  	_ = 	snop  }
0x85: {  	[tilespmem:s13], [sflag:$0x2] =	stream.indirect.gather [hbm4b:s25+s11], $0x40, s0, s11, $0xb8;
	[tilespmem:$0x13360] =	vst v63  }
0x86: {  	_ =	swait.ge [sflag:s14], $0x2000  }
0x87: {  	[sflag:s14] =	ssyncset.done $0x0  }
0x88: {  	[sflag:s14] =	ssyncadd.s32 $0xFFFFE000  }
0x89: {  	_ =	swait.ge [sflag:s17], $0x2000  }
0x8a: {  	[sflag:s17] =	ssyncset.done $0x0  }
0x8b: {  	s19 =	simm.s32 $0x0;
	[sflag:s17] =	ssyncadd.s32 $0xFFFFE000  }
0x8c: {  	v4 =	vld [tilespmem:s19+$0x2100]  }
0x8d: {  	v5 =	vld [tilespmem:s19+$0x2110]  }
0x8e: {  	v3 =	vld [tilespmem:s19+$0x2120]  }
0x8f: {  	v2 =	vld [tilespmem:s19+$0x2130]  }
0x90: {  	v6 =	vld [tilespmem:s19+$0x100]  }
0x91: {  	v8 =	vld [tilespmem:s19+$0x110]  }
0x92: {  	s20 =	simm.s32 $0x100;
	v7 =	vld [tilespmem:s19+$0x120]  }
.LBB2_9:
0x93: {  	p3 =	sne.s32 s20, $0x7F00;
	v9 =	vld [tilespmem:s19+$0x130]  }
0x94: {  	s21 =	sshra.s32 s20, $0x2  }
0x95: {  	v6 =	vadd.f32 v4, v6;
	v4 =	vld [tilespmem:s21+$0x2100]  }
0x96: {  	v8 =	vadd.f32 v5, v8;
	v5 =	vld [tilespmem:s21+$0x2110]  }
.Ltmp3:
0x97: {  	v6 =	vmax.f32 v6, $0.0e+00;
	v7 =	vadd.f32 v3, v7;
	v3 =	vld [tilespmem:s21+$0x2120];
	(pc) =	sbr.rel @p3 .LBB2_9-.Ltmp3, $4  }
0x98: {  	[tilespmem:s19+$0x100] =	vst v6;
	v8 =	vmax.f32 v8, $0.0e+00;
	v9 =	vadd.f32 v2, v9;
	v2 =	vld [tilespmem:s21+$0x2130]  }
0x99: {  	v6 =	vld [tilespmem:s21+$0x100];
	[tilespmem:s19+$0x110] =	vst v8;
	v7 =	vmax.f32 v7, $0.0e+00  }
0x9a: {  	v8 =	vld [tilespmem:s21+$0x110];
	[tilespmem:s19+$0x120] =	vst v7;
	v9 =	vmax.f32 v9, $0.0e+00  }
0x9b: {  	s20 =	sadd.s32 $0x100, s20;
	v7 =	vld [tilespmem:s21+$0x120];
	[tilespmem:s19+$0x130] =	vst v9;
	s19 =	smov.u32 s21  }
0x9c: {  	v9 =	vld [tilespmem:s19+$0x130];
	_ =	sdelay $0x1  }
0x9d: {  	v4 =	vadd.f32 v4, v6  }
0x9e: {  	v5 =	vadd.f32 v5, v8  }
0x9f: {  	v4 =	vmax.f32 v4, $0.0e+00;
	v3 =	vadd.f32 v3, v7  }
0xa0: {  	[tilespmem:s19+$0x100] =	vst v4;
	v63 =	vmax.f32 v5, $0.0e+00;
	v2 =	vadd.f32 v2, v9  }
0xa1: {  	[tilespmem:s19+$0x110] =	vst v63;
	v3 =	vmax.f32 v3, $0.0e+00  }
0xa2: {  	[tilespmem:s19+$0x120] =	vst v3;
	v2 =	vmax.f32 v2, $0.0e+00  }
0xa3: {  	[tilespmem:s19+$0x130] =	vst v2  }
0xa4: {  	[spmem:s2] =	stream.indirect.scatter.add.f32 [tilespmem:s12], [sflag:$0x4], $0x40, s11, s11, $0xb8;
	[tilespmem:$0x13360] =	vst v63  }
0xa5: {  	_ =	swait.ge [sflag:s10], $0x2000  }
0xa6: {  	s20 =	simm.s32 @!p1 $0x4100;
	s18 =	sadd.s32 $0x1, s18;
	[sflag:s10] =	ssyncset.done $0x0  }
0xa7: {  	p3 =	sne.s32 s18, s16;
	s19 =	simm.s32 @!p1 $0x80;
	[sflag:s10] =	ssyncadd.s32 $0xFFFFE000  }
0xa8: {  	[spmem:s3] =	stream.indirect.scatter.add.f32 @!p1 [tilespmem:s20], [sflag:$0x3], $0x10, s19, s19, $0xb8;
	[tilespmem:$0x13360] =	vst v63  }
.Ltmp4:
0xa9: {  	_ = 	snop;
	(pc) =	sbr.rel @p3 .LBB2_8-.Ltmp4, $4  }
0xaa: {  	s19 =	simm.s32 @!p1 $0x3  }
0xab: {  	_ =	swait.ge @!p1 [sflag:s19], $0x800  }
0xac: {  	[sflag:s19] =	ssyncset.done @!p1 $0x0  }
0xad: {  	[sflag:s19] =	ssyncadd.s32 @!p1 $0xFFFFF800  }
0xae: {  	s0 =	sshll.u32 @!p0 s22, $0x6  }
0xaf: {  	[bflag:$0x0] =	sbarrier.arrive $0xFFFF;
	s18 =	simm.s32 @!p0 $0x3;
	s0 =	sor.u32 @!p0 $0x1C03, s0  }
0xb0: {  	[hbm:s26], [sflag:s0] =	dma.local @!p0 [spmem:s30], $0x1F40  }
0xb1: {  	_ =	swait.ge @!p0 [sflag:s18], $0x1F40  }
0xb2: {  	s4 =	sadd.s32 $0x1, s4;
	[sflag:s18] =	ssyncset.done @!p0 $0x0  }
0xb3: {  	p3 =	sne.s32 s4, s29;
	[sflag:s18] =	ssyncadd.s32 @!p0 $0xFFFFE0C0  }
0xb4: {  	[hbm:s28], [sflag:s0] =	dma.local @!p2 [spmem:s31], $0x7D0  }
.Ltmp5:
0xb5: {  	_ = 	snop;
	(pc) =	sbr.rel @p3 .LBB2_1-.Ltmp5, $4  }
0xb6: {  	s0 =	simm.s32 @!p2 $0x3  }
0xb7: {  	_ =	swait.ge @!p2 [sflag:s0], $0x7D0  }
0xb8: {  	[sflag:s0] =	ssyncset.done @!p2 $0x0  }
0xb9: {  	[sflag:s0] =	ssyncadd.s32 @!p2 $0xFFFFF830  }
0xba: {  	_ =	sfence.sel $0x180000  }
0xbb: {  	[bflag:$0x0] =	sbarrier.arrive $0xFFFF  }
0xbc: {  	_ =	strace $0x90000047  }
0xbd: {  	[bflag:$0x2] =	sbarrier.arrive $0xFFFF  }
0xbe: {  	p0 =	sne.s32 s22, $0x0;
	s0 =	rddreg [dreg:$0x4]  }
0xbf: {  	s0 =	sadd.s32 @!p0 $0x100000, s0  }
0xc0: {  	[sflag:s0] =	ssyncadd.tile.s32 @!p0 $0x1;
	_ =	shalt  }
.Lfunc_end2:
_tile_overlayer_lowered:
.L_overlay_start_2:
0xc1: {  	(tag) =	ssettag $0x2  }
0xc2: {  	s0 =	rddreg [dreg:$0x0];
	s2 =	stileid.u32  }
0xc3: {  	s1 =	rddreg [dreg:$0x1];
	p0 =	sne.s32 s2, $0x0  }
0xc4: {  	s3 =	rddreg [dreg:$0x2];
	[bflag:$0x3] =	sbarrier.arrive $0xFFFF;
	s2 =	simm.s32 @!p0 $0x1C03  }
0xc5: {  	[timem:s3], [sflag:s2] =	dma.local @!p0 [hbm:s0], s1  }
0xc6: {  	s0 =	simm.s32 @!p0 $0x3  }
0xc7: {  	_ =	swait.ge @!p0 [sflag:s0], s1  }
0xc8: {  	s1 =	ssub.s32 @!p0 $0x0, s1;
	[sflag:s0] =	ssyncset.done @!p0 $0x0  }
0xc9: {  	[sflag:s0] =	ssyncadd.s32 @!p0 s1  }
0xca: {  	[bflag:$0x3] =	sbarrier.arrive $0xFFFF  }
0xcb: {  	_ =	shalt  }

</sc_bundles>
